<compile_context>
chip_gen: v7x
topology: tpu7x:2x2x1
jax: 0.10.2.dev20260603
libtpu: 0.0.44.dev20260713+nightly
codegen_flags: <defaults>
</compile_context>

<pallas_src>
import functools

import jax
import jax.numpy as jnp
from jax import lax
from jax.experimental import pallas as pl
from jax.experimental.pallas import tpu as pltpu
from jax.experimental.pallas import tpu_sc as plsc

D_MODEL = 64
D_PAD = 128
B_TOTAL = 16384 * 20
NUM_WORKERS = 32
CHUNK = 128
K = 8
ROWS_PER_W = B_TOTAL // (NUM_WORKERS * CHUNK)
NUM_BLOCKS = ROWS_PER_W // K

_mesh = plsc.VectorSubcoreMesh(core_axis_name="c", subcore_axis_name="s")


@functools.partial(
    pl.kernel,
    mesh=_mesh,
    out_type=jax.ShapeDtypeStruct((B_TOTAL, D_PAD), jnp.float32),
    scratch_types=[
        pltpu.VMEM((K, CHUNK), jnp.int32),
        pltpu.VMEM((6, CHUNK, D_PAD), jnp.float32),
        pltpu.SemaphoreType.DMA((6,)),
        pltpu.SemaphoreType.DMA((6,)),
    ],
)
def _gather_kernel(idx_hbm, table_hbm, out_hbm, idx_v, rows_v, sem_g, sem_s):
    wid = lax.axis_index("s") * 2 + lax.axis_index("c")
    base_row = wid * ROWS_PER_W

    def _gather(h, buf, row):
        return pltpu.async_copy(table_hbm.at[idx_v.at[h]], rows_v.at[buf],
                                sem_g.at[buf])

    def _store(h, buf, row):
        return pltpu.async_copy(
            rows_v.at[buf],
            out_hbm.at[pl.ds((row + h) * CHUNK, CHUNK)], sem_s.at[buf])

    def body(blk, carry):
        row = base_row + blk * K
        pltpu.sync_copy(idx_hbm.at[pl.ds(row, K)], idx_v)
        g = [None] * K
        st = [None] * K
        for h in range(4):
            g[h] = _gather(h, h % 6, row)
        for h in range(K):
            g[h].wait()
            if h + 4 < K:
                if h >= 2:
                    st[h - 2].wait()
                g[h + 4] = _gather(h + 4, (h + 4) % 6, row)
            st[h] = _store(h, h % 6, row)
        for h in range(max(0, K - 6), K):
            st[h].wait()
        return carry

    lax.fori_loop(0, NUM_BLOCKS, body, 0)


def kernel(token_ids, weight):
    idx = token_ids.reshape(B_TOTAL // CHUNK, CHUNK).astype(jnp.int32)
    wp = jnp.pad(weight, ((0, 0), (0, D_PAD - D_MODEL)))
    out = _gather_kernel(idx, wp)
    return out[:, :D_MODEL].reshape(token_ids.shape + (D_MODEL,))

# --- scband reference (transcript-rebuilt; emitter-appended) ---
"""Pipeline reference for scband-embedding-30846455119975 (READ-ONLY COPY).

The authoritative reference and input builder live on the scoring server;
editing this copy changes nothing except your own understanding.
"""

import jax, jax.numpy as jnp
import numpy as np

VOCAB_SIZE = 1000000
D_MODEL = 64

def setup_inputs(seed: int = 0) -> dict:
    key = jax.random.key(seed)
    k1, k2 = jax.random.split(key)
    token_ids = jax.random.randint(k1, (16384, 20), 0, VOCAB_SIZE, dtype=jnp.int64 if jax.config.jax_enable_x64 else jnp.int32)
    # trunc_normal init (mean=0, std=1, a=-3, b=3)
    weight = jax.random.truncated_normal(k2, -3.0, 3.0, (VOCAB_SIZE, D_MODEL), dtype=jnp.float32)
    return {"token_ids": token_ids, "weight": weight}

def reference(token_ids, weight):
    return jnp.take(weight, token_ids, axis=0)

if __name__ == "__main__":
    import jax
    _d = setup_inputs()
    print(jax.jit(kernel)(*tuple(_d.values())))

</pallas_src>

<mosaic_0001>
#map = affine_map<(d0, d1) -> (0, 0)>
module attributes {stable_mosaic.version = 14 : i64} {
  func.func @_gather_kernel(%arg0: i32, %arg1: i32, %arg2: memref<2560x128xi32, #tpu.memory_space<hbm>>, %arg3: memref<1000000x128xf32, #tpu.memory_space<hbm>>, %arg4: memref<327680x128xf32, #tpu.memory_space<hbm>>, %arg5: memref<8x128xi32, #tpu.memory_space<vmem>>, %arg6: memref<6x128x128xf32, #tpu.memory_space<vmem>>, %arg7: memref<6x!tpu.dma_semaphore, #tpu.memory_space<semaphore_mem>>, %arg8: memref<6x!tpu.dma_semaphore, #tpu.memory_space<semaphore_mem>>) attributes {dimension_semantics = [#tpu.dimension_semantics<core_parallel>, #tpu.dimension_semantics<subcore_parallel>], iteration_bounds = array<i64: 2, 16>, scalar_prefetch = 0 : i64, scratch_operands = 4 : i64, tpu.core_type = #tpu.core_type<sc_vector_subcore>, window_params = [{transform_indices = #map}, {transform_indices = #map}, {transform_indices = #map}]} {
    %mul3A = arith.constant 2 : i32
    %mul3A_0 = arith.muli %arg1, %mul3A : i32
    %add3A = arith.addi %mul3A_0, %arg0 : i32
    %mul3A_1 = arith.constant 80 : i32
    %mul3A_2 = arith.muli %add3A, %mul3A_1 : i32
    %scan3A = arith.constant 0 : i32
    %scan3A_3 = arith.constant 0 : i32
    %scan3A_4 = arith.constant 10 : i32
    %scan3A_5 = arith.addi %scan3A_3, %scan3A_4 : i32
    %scan3A_6 = arith.constant 1 : i32
    scf.for %scan3A_8 = %scan3A_3 to %scan3A_5 step %scan3A_6  : i32 {
      %mul3A_9 = arith.constant 8 : i32
      %mul3A_10 = arith.muli %scan3A_8, %mul3A_9 : i32
      %add3A_11 = arith.addi %mul3A_2, %mul3A_10 : i32
      "tpu.region"() ({
        %run_scoped3A = tpu.sem_alloc : memref<!tpu.dma_semaphore, #tpu.memory_space<semaphore_mem>>
        %dma_start3A_538 = arith.constant 0 : i32
        %dma_start3A_539 = tpu.memref_slice %arg2[%add3A_11, %dma_start3A_538] : memref<2560x128xi32, #tpu.memory_space<hbm>> -> memref<8x128xi32, #tpu.memory_space<hbm>>
        %dma_start3A_540 = arith.constant 0 : i32
        %dma_start3A_541 = tpu.memref_slice %arg2[%add3A_11, %dma_start3A_540] : memref<2560x128xi32, #tpu.memory_space<hbm>> -> memref<8x128xi32, #tpu.memory_space<hbm>>
        tpu.enqueue_dma source(%dma_start3A_541 : memref<8x128xi32, #tpu.memory_space<hbm>>) target(%arg5 : memref<8x128xi32, #tpu.memory_space<vmem>>) target_semaphore(%run_scoped3A : memref<!tpu.dma_semaphore, #tpu.memory_space<semaphore_mem>>)
        %dma_wait3A_542 = arith.constant 0 : i32
        %dma_wait3A_543 = tpu.memref_slice %arg2[%add3A_11, %dma_wait3A_542] : memref<2560x128xi32, #tpu.memory_space<hbm>> -> memref<8x128xi32, #tpu.memory_space<hbm>>
        %dma_wait3A_544 = arith.constant 0 : i32
        %dma_wait3A_545 = tpu.memref_slice %arg2[%add3A_11, %dma_wait3A_544] : memref<2560x128xi32, #tpu.memory_space<hbm>> -> memref<8x128xi32, #tpu.memory_space<hbm>>
        tpu.wait_dma2 semaphore(%run_scoped3A : memref<!tpu.dma_semaphore, #tpu.memory_space<semaphore_mem>>) src(%dma_wait3A_545 : memref<8x128xi32, #tpu.memory_space<hbm>>) dst(%arg5 : memref<8x128xi32, #tpu.memory_space<vmem>>)
        tpu.yield
      }) : () -> ()
      %dma_start3A = arith.constant 0 : i32
      %dma_start3A_12 = arith.constant 0 : i32
      %dma_start3A_13 = arith.constant 0 : i32
      %dma_start3A_14 = arith.constant 0 : i32
      %dma_start3A_15 = arith.constant 0 : i32
      %dma_start3A_16 = tpu.memref_slice %arg6[%dma_start3A_12, %dma_start3A_14, %dma_start3A_15] : memref<6x128x128xf32, #tpu.memory_space<vmem>> -> memref<1x128x128xf32, #tpu.memory_space<vmem>>
      %dma_start3A_17 = tpu.memref_squeeze %dma_start3A_16 : memref<1x128x128xf32, #tpu.memory_space<vmem>> -> memref<128x128xf32, #tpu.memory_space<vmem>>
      %dma_start3A_18 = arith.constant 0 : i32
      %dma_start3A_19 = tpu.memref_slice %arg5[%dma_start3A, %dma_start3A_18] : memref<8x128xi32, #tpu.memory_space<vmem>> -> memref<1x128xi32, #tpu.memory_space<vmem>>
      %dma_start3A_20 = tpu.memref_squeeze %dma_start3A_19 : memref<1x128xi32, #tpu.memory_space<vmem>> -> memref<128xi32, #tpu.memory_space<vmem>>
      %dma_start3A_21 = arith.constant 0 : i32
      %dma_start3A_22 = arith.constant 0 : i32
      %dma_start3A_23 = tpu.memref_slice %arg3[%dma_start3A_21, %dma_start3A_22] : memref<1000000x128xf32, #tpu.memory_space<hbm>> -> memref<1000000x128xf32, #tpu.memory_space<hbm>>
      %dma_start3A_24 = tpu.memref_slice %arg7[%dma_start3A_13] : memref<6x!tpu.dma_semaphore, #tpu.memory_space<semaphore_mem>> -> memref<1x!tpu.dma_semaphore, #tpu.memory_space<semaphore_mem>>
      %dma_start3A_25 = tpu.memref_squeeze %dma_start3A_24 : memref<1x!tpu.dma_semaphore, #tpu.memory_space<semaphore_mem>> -> memref<!tpu.dma_semaphore, #tpu.memory_space<semaphore_mem>>
      tpu.enqueue_indirect_dma source(%dma_start3A_23 : memref<1000000x128xf32, #tpu.memory_space<hbm>>) target(%dma_start3A_17 : memref<128x128xf32, #tpu.memory_space<vmem>>) offsets(%dma_start3A_20 : memref<128xi32, #tpu.memory_space<vmem>>) semaphore(%dma_start3A_25 : memref<!tpu.dma_semaphore, #tpu.memory_space<semaphore_mem>>)
      %dma_start3A_26 = arith.constant 1 : i32
      %dma_start3A_27 = arith.constant 1 : i32
      %dma_start3A_28 = arith.constant 1 : i32
      %dma_start3A_29 = arith.constant 0 : i32
      %dma_start3A_30 = arith.constant 0 : i32
      %dma_start3A_31 = tpu.memref_slice %arg6[%dma_start3A_27, %dma_start3A_29, %dma_start3A_30] : memref<6x128x128xf32, #tpu.memory_space<vmem>> -> memref<1x128x128xf32, #tpu.memory_space<vmem>>
      %dma_start3A_32 = tpu.memref_squeeze %dma_start3A_31 : memref<1x128x128xf32, #tpu.memory_space<vmem>> -> memref<128x128xf32, #tpu.memory_space<vmem>>
      %dma_start3A_33 = arith.constant 0 : i32
      %dma_start3A_34 = tpu.memref_slice %arg5[%dma_start3A_26, %dma_start3A_33] : memref<8x128xi32, #tpu.memory_space<vmem>> -> memref<1x128xi32, #tpu.memory_space<vmem>>
      %dma_start3A_35 = tpu.memref_squeeze %dma_start3A_34 : memref<1x128xi32, #tpu.memory_space<vmem>> -> memref<128xi32, #tpu.memory_space<vmem>>
      %dma_start3A_36 = arith.constant 0 : i32
      %dma_start3A_37 = arith.constant 0 : i32
      %dma_start3A_38 = tpu.memref_slice %arg3[%dma_start3A_36, %dma_start3A_37] : memref<1000000x128xf32, #tpu.memory_space<hbm>> -> memref<1000000x128xf32, #tpu.memory_space<hbm>>
      %dma_start3A_39 = tpu.memref_slice %arg7[%dma_start3A_28] : memref<6x!tpu.dma_semaphore, #tpu.memory_space<semaphore_mem>> -> memref<1x!tpu.dma_semaphore, #tpu.memory_space<semaphore_mem>>
      %dma_start3A_40 = tpu.memref_squeeze %dma_start3A_39 : memref<1x!tpu.dma_semaphore, #tpu.memory_space<semaphore_mem>> -> memref<!tpu.dma_semaphore, #tpu.memory_space<semaphore_mem>>
      tpu.enqueue_indirect_dma source(%dma_start3A_38 : memref<1000000x128xf32, #tpu.memory_space<hbm>>) target(%dma_start3A_32 : memref<128x128xf32, #tpu.memory_space<vmem>>) offsets(%dma_start3A_35 : memref<128xi32, #tpu.memory_space<vmem>>) semaphore(%dma_start3A_40 : memref<!tpu.dma_semaphore, #tpu.memory_space<semaphore_mem>>)
      %dma_start3A_41 = arith.constant 2 : i32
      %dma_start3A_42 = arith.constant 2 : i32
      %dma_start3A_43 = arith.constant 2 : i32
      %dma_start3A_44 = arith.constant 0 : i32
      %dma_start3A_45 = arith.constant 0 : i32
      %dma_start3A_46 = tpu.memref_slice %arg6[%dma_start3A_42, %dma_start3A_44, %dma_start3A_45] : memref<6x128x128xf32, #tpu.memory_space<vmem>> -> memref<1x128x128xf32, #tpu.memory_space<vmem>>
      %dma_start3A_47 = tpu.memref_squeeze %dma_start3A_46 : memref<1x128x128xf32, #tpu.memory_space<vmem>> -> memref<128x128xf32, #tpu.memory_space<vmem>>
      %dma_start3A_48 = arith.constant 0 : i32
      %dma_start3A_49 = tpu.memref_slice %arg5[%dma_start3A_41, %dma_start3A_48] : memref<8x128xi32, #tpu.memory_space<vmem>> -> memref<1x128xi32, #tpu.memory_space<vmem>>
      %dma_start3A_50 = tpu.memref_squeeze %dma_start3A_49 : memref<1x128xi32, #tpu.memory_space<vmem>> -> memref<128xi32, #tpu.memory_space<vmem>>
      %dma_start3A_51 = arith.constant 0 : i32
      %dma_start3A_52 = arith.constant 0 : i32
      %dma_start3A_53 = tpu.memref_slice %arg3[%dma_start3A_51, %dma_start3A_52] : memref<1000000x128xf32, #tpu.memory_space<hbm>> -> memref<1000000x128xf32, #tpu.memory_space<hbm>>
      %dma_start3A_54 = tpu.memref_slice %arg7[%dma_start3A_43] : memref<6x!tpu.dma_semaphore, #tpu.memory_space<semaphore_mem>> -> memref<1x!tpu.dma_semaphore, #tpu.memory_space<semaphore_mem>>
      %dma_start3A_55 = tpu.memref_squeeze %dma_start3A_54 : memref<1x!tpu.dma_semaphore, #tpu.memory_space<semaphore_mem>> -> memref<!tpu.dma_semaphore, #tpu.memory_space<semaphore_mem>>
      tpu.enqueue_indirect_dma source(%dma_start3A_53 : memref<1000000x128xf32, #tpu.memory_space<hbm>>) target(%dma_start3A_47 : memref<128x128xf32, #tpu.memory_space<vmem>>) offsets(%dma_start3A_50 : memref<128xi32, #tpu.memory_space<vmem>>) semaphore(%dma_start3A_55 : memref<!tpu.dma_semaphore, #tpu.memory_space<semaphore_mem>>)
      %dma_start3A_56 = arith.constant 3 : i32
      %dma_start3A_57 = arith.constant 3 : i32
      %dma_start3A_58 = arith.constant 3 : i32
      %dma_start3A_59 = arith.constant 0 : i32
      %dma_start3A_60 = arith.constant 0 : i32
      %dma_start3A_61 = tpu.memref_slice %arg6[%dma_start3A_57, %dma_start3A_59, %dma_start3A_60] : memref<6x128x128xf32, #tpu.memory_space<vmem>> -> memref<1x128x128xf32, #tpu.memory_space<vmem>>
      %dma_start3A_62 = tpu.memref_squeeze %dma_start3A_61 : memref<1x128x128xf32, #tpu.memory_space<vmem>> -> memref<128x128xf32, #tpu.memory_space<vmem>>
      %dma_start3A_63 = arith.constant 0 : i32
      %dma_start3A_64 = tpu.memref_slice %arg5[%dma_start3A_56, %dma_start3A_63] : memref<8x128xi32, #tpu.memory_space<vmem>> -> memref<1x128xi32, #tpu.memory_space<vmem>>
      %dma_start3A_65 = tpu.memref_squeeze %dma_start3A_64 : memref<1x128xi32, #tpu.memory_space<vmem>> -> memref<128xi32, #tpu.memory_space<vmem>>
      %dma_start3A_66 = arith.constant 0 : i32
      %dma_start3A_67 = arith.constant 0 : i32
      %dma_start3A_68 = tpu.memref_slice %arg3[%dma_start3A_66, %dma_start3A_67] : memref<1000000x128xf32, #tpu.memory_space<hbm>> -> memref<1000000x128xf32, #tpu.memory_space<hbm>>
      %dma_start3A_69 = tpu.memref_slice %arg7[%dma_start3A_58] : memref<6x!tpu.dma_semaphore, #tpu.memory_space<semaphore_mem>> -> memref<1x!tpu.dma_semaphore, #tpu.memory_space<semaphore_mem>>
      %dma_start3A_70 = tpu.memref_squeeze %dma_start3A_69 : memref<1x!tpu.dma_semaphore, #tpu.memory_space<semaphore_mem>> -> memref<!tpu.dma_semaphore, #tpu.memory_space<semaphore_mem>>
      tpu.enqueue_indirect_dma source(%dma_start3A_68 : memref<1000000x128xf32, #tpu.memory_space<hbm>>) target(%dma_start3A_62 : memref<128x128xf32, #tpu.memory_space<vmem>>) offsets(%dma_start3A_65 : memref<128xi32, #tpu.memory_space<vmem>>) semaphore(%dma_start3A_70 : memref<!tpu.dma_semaphore, #tpu.memory_space<semaphore_mem>>)
      %dma_wait3A = arith.constant 0 : i32
      %dma_wait3A_71 = arith.constant 0 : i32
      %dma_wait3A_72 = arith.constant 0 : i32
      %dma_wait3A_73 = arith.constant 0 : i32
      %dma_wait3A_74 = arith.constant 0 : i32
      %dma_wait3A_75 = tpu.memref_slice %arg6[%dma_wait3A_71, %dma_wait3A_73, %dma_wait3A_74] : memref<6x128x128xf32, #tpu.memory_space<vmem>> -> memref<1x128x128xf32, #tpu.memory_space<vmem>>
      %dma_wait3A_76 = tpu.memref_squeeze %dma_wait3A_75 : memref<1x128x128xf32, #tpu.memory_space<vmem>> -> memref<128x128xf32, #tpu.memory_space<vmem>>
      %dma_wait3A_77 = arith.constant 0 : i32
      %dma_wait3A_78 = tpu.memref_slice %arg5[%dma_wait3A, %dma_wait3A_77] : memref<8x128xi32, #tpu.memory_space<vmem>> -> memref<1x128xi32, #tpu.memory_space<vmem>>
      %dma_wait3A_79 = tpu.memref_squeeze %dma_wait3A_78 : memref<1x128xi32, #tpu.memory_space<vmem>> -> memref<128xi32, #tpu.memory_space<vmem>>
      %dma_wait3A_80 = arith.constant 0 : i32
      %dma_wait3A_81 = arith.constant 0 : i32
      %dma_wait3A_82 = tpu.memref_slice %arg3[%dma_wait3A_80, %dma_wait3A_81] : memref<1000000x128xf32, #tpu.memory_space<hbm>> -> memref<1000000x128xf32, #tpu.memory_space<hbm>>
      %dma_wait3A_83 = tpu.memref_slice %arg7[%dma_wait3A_72] : memref<6x!tpu.dma_semaphore, #tpu.memory_space<semaphore_mem>> -> memref<1x!tpu.dma_semaphore, #tpu.memory_space<semaphore_mem>>
      %dma_wait3A_84 = tpu.memref_squeeze %dma_wait3A_83 : memref<1x!tpu.dma_semaphore, #tpu.memory_space<semaphore_mem>> -> memref<!tpu.dma_semaphore, #tpu.memory_space<semaphore_mem>>
      tpu.wait_indirect_dma semaphore(%dma_wait3A_84 : memref<!tpu.dma_semaphore, #tpu.memory_space<semaphore_mem>>) src(%dma_wait3A_82 : memref<1000000x128xf32, #tpu.memory_space<hbm>>) dst(%dma_wait3A_76 : memref<128x128xf32, #tpu.memory_space<vmem>>)
      %dma_start3A_85 = arith.constant 4 : i32
      %dma_start3A_86 = arith.constant 4 : i32
      %dma_start3A_87 = arith.constant 4 : i32
      %dma_start3A_88 = arith.constant 0 : i32
      %dma_start3A_89 = arith.constant 0 : i32
      %dma_start3A_90 = tpu.memref_slice %arg6[%dma_start3A_86, %dma_start3A_88, %dma_start3A_89] : memref<6x128x128xf32, #tpu.memory_space<vmem>> -> memref<1x128x128xf32, #tpu.memory_space<vmem>>
      %dma_start3A_91 = tpu.memref_squeeze %dma_start3A_90 : memref<1x128x128xf32, #tpu.memory_space<vmem>> -> memref<128x128xf32, #tpu.memory_space<vmem>>
      %dma_start3A_92 = arith.constant 0 : i32
      %dma_start3A_93 = tpu.memref_slice %arg5[%dma_start3A_85, %dma_start3A_92] : memref<8x128xi32, #tpu.memory_space<vmem>> -> memref<1x128xi32, #tpu.memory_space<vmem>>
      %dma_start3A_94 = tpu.memref_squeeze %dma_start3A_93 : memref<1x128xi32, #tpu.memory_space<vmem>> -> memref<128xi32, #tpu.memory_space<vmem>>
      %dma_start3A_95 = arith.constant 0 : i32
      %dma_start3A_96 = arith.constant 0 : i32
      %dma_start3A_97 = tpu.memref_slice %arg3[%dma_start3A_95, %dma_start3A_96] : memref<1000000x128xf32, #tpu.memory_space<hbm>> -> memref<1000000x128xf32, #tpu.memory_space<hbm>>
      %dma_start3A_98 = tpu.memref_slice %arg7[%dma_start3A_87] : memref<6x!tpu.dma_semaphore, #tpu.memory_space<semaphore_mem>> -> memref<1x!tpu.dma_semaphore, #tpu.memory_space<semaphore_mem>>
      %dma_start3A_99 = tpu.memref_squeeze %dma_start3A_98 : memref<1x!tpu.dma_semaphore, #tpu.memory_space<semaphore_mem>> -> memref<!tpu.dma_semaphore, #tpu.memory_space<semaphore_mem>>
      tpu.enqueue_indirect_dma source(%dma_start3A_97 : memref<1000000x128xf32, #tpu.memory_space<hbm>>) target(%dma_start3A_91 : memref<128x128xf32, #tpu.memory_space<vmem>>) offsets(%dma_start3A_94 : memref<128xi32, #tpu.memory_space<vmem>>) semaphore(%dma_start3A_99 : memref<!tpu.dma_semaphore, #tpu.memory_space<semaphore_mem>>)
      %add3A_100 = arith.constant 0 : i32
      %add3A_101 = arith.addi %add3A_11, %add3A_100 : i32
      %mul3A_102 = arith.constant 128 : i32
      %mul3A_103 = arith.muli %add3A_101, %mul3A_102 : i32
      %dma_start3A_104 = arith.constant 0 : i32
      %dma_start3A_105 = arith.constant 0 : i32
      %dma_start3A_106 = arith.constant 0 : i32
      %dma_start3A_107 = arith.constant 0 : i32
      %dma_start3A_108 = tpu.memref_slice %arg6[%dma_start3A_104, %dma_start3A_106, %dma_start3A_107] : memref<6x128x128xf32, #tpu.memory_space<vmem>> -> memref<1x128x128xf32, #tpu.memory_space<vmem>>
      %dma_start3A_109 = tpu.memref_squeeze %dma_start3A_108 : memref<1x128x128xf32, #tpu.memory_space<vmem>> -> memref<128x128xf32, #tpu.memory_space<vmem>>
      %dma_start3A_110 = arith.constant 0 : i32
      %dma_start3A_111 = tpu.memref_slice %arg4[%mul3A_103, %dma_start3A_110] : memref<327680x128xf32, #tpu.memory_space<hbm>> -> memref<128x128xf32, #tpu.memory_space<hbm>>
      %dma_start3A_112 = tpu.memref_slice %arg8[%dma_start3A_105] : memref<6x!tpu.dma_semaphore, #tpu.memory_space<semaphore_mem>> -> memref<1x!tpu.dma_semaphore, #tpu.memory_space<semaphore_mem>>
      %dma_start3A_113 = tpu.memref_squeeze %dma_start3A_112 : memref<1x!tpu.dma_semaphore, #tpu.memory_space<semaphore_mem>> -> memref<!tpu.dma_semaphore, #tpu.memory_space<semaphore_mem>>
      %dma_start3A_114 = arith.constant 0 : i32
      %dma_start3A_115 = tpu.memref_slice %arg4[%mul3A_103, %dma_start3A_114] : memref<327680x128xf32, #tpu.memory_space<hbm>> -> memref<128x128xf32, #tpu.memory_space<hbm>>
      %dma_start3A_116 = arith.constant 0 : i32
      %dma_start3A_117 = arith.constant 0 : i32
      %dma_start3A_118 = tpu.memref_slice %arg6[%dma_start3A_104, %dma_start3A_116, %dma_start3A_117] : memref<6x128x128xf32, #tpu.memory_space<vmem>> -> memref<1x128x128xf32, #tpu.memory_space<vmem>>
      %dma_start3A_119 = tpu.memref_squeeze %dma_start3A_118 : memref<1x128x128xf32, #tpu.memory_space<vmem>> -> memref<128x128xf32, #tpu.memory_space<vmem>>
      tpu.enqueue_dma source(%dma_start3A_119 : memref<128x128xf32, #tpu.memory_space<vmem>>) target(%dma_start3A_115 : memref<128x128xf32, #tpu.memory_space<hbm>>) target_semaphore(%dma_start3A_113 : memref<!tpu.dma_semaphore, #tpu.memory_space<semaphore_mem>>)
      %dma_wait3A_120 = arith.constant 1 : i32
      %dma_wait3A_121 = arith.constant 1 : i32
      %dma_wait3A_122 = arith.constant 1 : i32
      %dma_wait3A_123 = arith.constant 0 : i32
      %dma_wait3A_124 = arith.constant 0 : i32
      %dma_wait3A_125 = tpu.memref_slice %arg6[%dma_wait3A_121, %dma_wait3A_123, %dma_wait3A_124] : memref<6x128x128xf32, #tpu.memory_space<vmem>> -> memref<1x128x128xf32, #tpu.memory_space<vmem>>
      %dma_wait3A_126 = tpu.memref_squeeze %dma_wait3A_125 : memref<1x128x128xf32, #tpu.memory_space<vmem>> -> memref<128x128xf32, #tpu.memory_space<vmem>>
      %dma_wait3A_127 = arith.constant 0 : i32
      %dma_wait3A_128 = tpu.memref_slice %arg5[%dma_wait3A_120, %dma_wait3A_127] : memref<8x128xi32, #tpu.memory_space<vmem>> -> memref<1x128xi32, #tpu.memory_space<vmem>>
      %dma_wait3A_129 = tpu.memref_squeeze %dma_wait3A_128 : memref<1x128xi32, #tpu.memory_space<vmem>> -> memref<128xi32, #tpu.memory_space<vmem>>
      %dma_wait3A_130 = arith.constant 0 : i32
      %dma_wait3A_131 = arith.constant 0 : i32
      %dma_wait3A_132 = tpu.memref_slice %arg3[%dma_wait3A_130, %dma_wait3A_131] : memref<1000000x128xf32, #tpu.memory_space<hbm>> -> memref<1000000x128xf32, #tpu.memory_space<hbm>>
      %dma_wait3A_133 = tpu.memref_slice %arg7[%dma_wait3A_122] : memref<6x!tpu.dma_semaphore, #tpu.memory_space<semaphore_mem>> -> memref<1x!tpu.dma_semaphore, #tpu.memory_space<semaphore_mem>>
      %dma_wait3A_134 = tpu.memref_squeeze %dma_wait3A_133 : memref<1x!tpu.dma_semaphore, #tpu.memory_space<semaphore_mem>> -> memref<!tpu.dma_semaphore, #tpu.memory_space<semaphore_mem>>
      tpu.wait_indirect_dma semaphore(%dma_wait3A_134 : memref<!tpu.dma_semaphore, #tpu.memory_space<semaphore_mem>>) src(%dma_wait3A_132 : memref<1000000x128xf32, #tpu.memory_space<hbm>>) dst(%dma_wait3A_126 : memref<128x128xf32, #tpu.memory_space<vmem>>)
      %dma_start3A_135 = arith.constant 5 : i32
      %dma_start3A_136 = arith.constant 5 : i32
      %dma_start3A_137 = arith.constant 5 : i32
      %dma_start3A_138 = arith.constant 0 : i32
      %dma_start3A_139 = arith.constant 0 : i32
      %dma_start3A_140 = tpu.memref_slice %arg6[%dma_start3A_136, %dma_start3A_138, %dma_start3A_139] : memref<6x128x128xf32, #tpu.memory_space<vmem>> -> memref<1x128x128xf32, #tpu.memory_space<vmem>>
      %dma_start3A_141 = tpu.memref_squeeze %dma_start3A_140 : memref<1x128x128xf32, #tpu.memory_space<vmem>> -> memref<128x128xf32, #tpu.memory_space<vmem>>
      %dma_start3A_142 = arith.constant 0 : i32
      %dma_start3A_143 = tpu.memref_slice %arg5[%dma_start3A_135, %dma_start3A_142] : memref<8x128xi32, #tpu.memory_space<vmem>> -> memref<1x128xi32, #tpu.memory_space<vmem>>
      %dma_start3A_144 = tpu.memref_squeeze %dma_start3A_143 : memref<1x128xi32, #tpu.memory_space<vmem>> -> memref<128xi32, #tpu.memory_space<vmem>>
      %dma_start3A_145 = arith.constant 0 : i32
      %dma_start3A_146 = arith.constant 0 : i32
      %dma_start3A_147 = tpu.memref_slice %arg3[%dma_start3A_145, %dma_start3A_146] : memref<1000000x128xf32, #tpu.memory_space<hbm>> -> memref<1000000x128xf32, #tpu.memory_space<hbm>>
      %dma_start3A_148 = tpu.memref_slice %arg7[%dma_start3A_137] : memref<6x!tpu.dma_semaphore, #tpu.memory_space<semaphore_mem>> -> memref<1x!tpu.dma_semaphore, #tpu.memory_space<semaphore_mem>>
      %dma_start3A_149 = tpu.memref_squeeze %dma_start3A_148 : memref<1x!tpu.dma_semaphore, #tpu.memory_space<semaphore_mem>> -> memref<!tpu.dma_semaphore, #tpu.memory_space<semaphore_mem>>
      tpu.enqueue_indirect_dma source(%dma_start3A_147 : memref<1000000x128xf32, #tpu.memory_space<hbm>>) target(%dma_start3A_141 : memref<128x128xf32, #tpu.memory_space<vmem>>) offsets(%dma_start3A_144 : memref<128xi32, #tpu.memory_space<vmem>>) semaphore(%dma_start3A_149 : memref<!tpu.dma_semaphore, #tpu.memory_space<semaphore_mem>>)
      %add3A_150 = arith.constant 1 : i32
      %add3A_151 = arith.addi %add3A_11, %add3A_150 : i32
      %mul3A_152 = arith.constant 128 : i32
      %mul3A_153 = arith.muli %add3A_151, %mul3A_152 : i32
      %dma_start3A_154 = arith.constant 1 : i32
      %dma_start3A_155 = arith.constant 1 : i32
      %dma_start3A_156 = arith.constant 0 : i32
      %dma_start3A_157 = arith.constant 0 : i32
      %dma_start3A_158 = tpu.memref_slice %arg6[%dma_start3A_154, %dma_start3A_156, %dma_start3A_157] : memref<6x128x128xf32, #tpu.memory_space<vmem>> -> memref<1x128x128xf32, #tpu.memory_space<vmem>>
      %dma_start3A_159 = tpu.memref_squeeze %dma_start3A_158 : memref<1x128x128xf32, #tpu.memory_space<vmem>> -> memref<128x128xf32, #tpu.memory_space<vmem>>
      %dma_start3A_160 = arith.constant 0 : i32
      %dma_start3A_161 = tpu.memref_slice %arg4[%mul3A_153, %dma_start3A_160] : memref<327680x128xf32, #tpu.memory_space<hbm>> -> memref<128x128xf32, #tpu.memory_space<hbm>>
      %dma_start3A_162 = tpu.memref_slice %arg8[%dma_start3A_155] : memref<6x!tpu.dma_semaphore, #tpu.memory_space<semaphore_mem>> -> memref<1x!tpu.dma_semaphore, #tpu.memory_space<semaphore_mem>>
      %dma_start3A_163 = tpu.memref_squeeze %dma_start3A_162 : memref<1x!tpu.dma_semaphore, #tpu.memory_space<semaphore_mem>> -> memref<!tpu.dma_semaphore, #tpu.memory_space<semaphore_mem>>
      %dma_start3A_164 = arith.constant 0 : i32
      %dma_start3A_165 = tpu.memref_slice %arg4[%mul3A_153, %dma_start3A_164] : memref<327680x128xf32, #tpu.memory_space<hbm>> -> memref<128x128xf32, #tpu.memory_space<hbm>>
      %dma_start3A_166 = arith.constant 0 : i32
      %dma_start3A_167 = arith.constant 0 : i32
      %dma_start3A_168 = tpu.memref_slice %arg6[%dma_start3A_154, %dma_start3A_166, %dma_start3A_167] : memref<6x128x128xf32, #tpu.memory_space<vmem>> -> memref<1x128x128xf32, #tpu.memory_space<vmem>>
      %dma_start3A_169 = tpu.memref_squeeze %dma_start3A_168 : memref<1x128x128xf32, #tpu.memory_space<vmem>> -> memref<128x128xf32, #tpu.memory_space<vmem>>
      tpu.enqueue_dma source(%dma_start3A_169 : memref<128x128xf32, #tpu.memory_space<vmem>>) target(%dma_start3A_165 : memref<128x128xf32, #tpu.memory_space<hbm>>) target_semaphore(%dma_start3A_163 : memref<!tpu.dma_semaphore, #tpu.memory_space<semaphore_mem>>)
      %dma_wait3A_170 = arith.constant 2 : i32
      %dma_wait3A_171 = arith.constant 2 : i32
      %dma_wait3A_172 = arith.constant 2 : i32
      %dma_wait3A_173 = arith.constant 0 : i32
      %dma_wait3A_174 = arith.constant 0 : i32
      %dma_wait3A_175 = tpu.memref_slice %arg6[%dma_wait3A_171, %dma_wait3A_173, %dma_wait3A_174] : memref<6x128x128xf32, #tpu.memory_space<vmem>> -> memref<1x128x128xf32, #tpu.memory_space<vmem>>
      %dma_wait3A_176 = tpu.memref_squeeze %dma_wait3A_175 : memref<1x128x128xf32, #tpu.memory_space<vmem>> -> memref<128x128xf32, #tpu.memory_space<vmem>>
      %dma_wait3A_177 = arith.constant 0 : i32
      %dma_wait3A_178 = tpu.memref_slice %arg5[%dma_wait3A_170, %dma_wait3A_177] : memref<8x128xi32, #tpu.memory_space<vmem>> -> memref<1x128xi32, #tpu.memory_space<vmem>>
      %dma_wait3A_179 = tpu.memref_squeeze %dma_wait3A_178 : memref<1x128xi32, #tpu.memory_space<vmem>> -> memref<128xi32, #tpu.memory_space<vmem>>
      %dma_wait3A_180 = arith.constant 0 : i32
      %dma_wait3A_181 = arith.constant 0 : i32
      %dma_wait3A_182 = tpu.memref_slice %arg3[%dma_wait3A_180, %dma_wait3A_181] : memref<1000000x128xf32, #tpu.memory_space<hbm>> -> memref<1000000x128xf32, #tpu.memory_space<hbm>>
      %dma_wait3A_183 = tpu.memref_slice %arg7[%dma_wait3A_172] : memref<6x!tpu.dma_semaphore, #tpu.memory_space<semaphore_mem>> -> memref<1x!tpu.dma_semaphore, #tpu.memory_space<semaphore_mem>>
      %dma_wait3A_184 = tpu.memref_squeeze %dma_wait3A_183 : memref<1x!tpu.dma_semaphore, #tpu.memory_space<semaphore_mem>> -> memref<!tpu.dma_semaphore, #tpu.memory_space<semaphore_mem>>
      tpu.wait_indirect_dma semaphore(%dma_wait3A_184 : memref<!tpu.dma_semaphore, #tpu.memory_space<semaphore_mem>>) src(%dma_wait3A_182 : memref<1000000x128xf32, #tpu.memory_space<hbm>>) dst(%dma_wait3A_176 : memref<128x128xf32, #tpu.memory_space<vmem>>)
      %dma_wait3A_185 = arith.constant 0 : i32
      %dma_wait3A_186 = arith.constant 0 : i32
      %dma_wait3A_187 = arith.constant 0 : i32
      %dma_wait3A_188 = arith.constant 0 : i32
      %dma_wait3A_189 = tpu.memref_slice %arg6[%dma_wait3A_185, %dma_wait3A_187, %dma_wait3A_188] : memref<6x128x128xf32, #tpu.memory_space<vmem>> -> memref<1x128x128xf32, #tpu.memory_space<vmem>>
      %dma_wait3A_190 = tpu.memref_squeeze %dma_wait3A_189 : memref<1x128x128xf32, #tpu.memory_space<vmem>> -> memref<128x128xf32, #tpu.memory_space<vmem>>
      %dma_wait3A_191 = arith.constant 0 : i32
      %dma_wait3A_192 = tpu.memref_slice %arg4[%mul3A_103, %dma_wait3A_191] : memref<327680x128xf32, #tpu.memory_space<hbm>> -> memref<128x128xf32, #tpu.memory_space<hbm>>
      %dma_wait3A_193 = tpu.memref_slice %arg8[%dma_wait3A_186] : memref<6x!tpu.dma_semaphore, #tpu.memory_space<semaphore_mem>> -> memref<1x!tpu.dma_semaphore, #tpu.memory_space<semaphore_mem>>
      %dma_wait3A_194 = tpu.memref_squeeze %dma_wait3A_193 : memref<1x!tpu.dma_semaphore, #tpu.memory_space<semaphore_mem>> -> memref<!tpu.dma_semaphore, #tpu.memory_space<semaphore_mem>>
      %dma_wait3A_195 = arith.constant 0 : i32
      %dma_wait3A_196 = tpu.memref_slice %arg4[%mul3A_103, %dma_wait3A_195] : memref<327680x128xf32, #tpu.memory_space<hbm>> -> memref<128x128xf32, #tpu.memory_space<hbm>>
      %dma_wait3A_197 = arith.constant 0 : i32
      %dma_wait3A_198 = arith.constant 0 : i32
      %dma_wait3A_199 = tpu.memref_slice %arg6[%dma_wait3A_185, %dma_wait3A_197, %dma_wait3A_198] : memref<6x128x128xf32, #tpu.memory_space<vmem>> -> memref<1x128x128xf32, #tpu.memory_space<vmem>>
      %dma_wait3A_200 = tpu.memref_squeeze %dma_wait3A_199 : memref<1x128x128xf32, #tpu.memory_space<vmem>> -> memref<128x128xf32, #tpu.memory_space<vmem>>
      tpu.wait_dma2 semaphore(%dma_wait3A_194 : memref<!tpu.dma_semaphore, #tpu.memory_space<semaphore_mem>>) src(%dma_wait3A_200 : memref<128x128xf32, #tpu.memory_space<vmem>>) dst(%dma_wait3A_196 : memref<128x128xf32, #tpu.memory_space<hbm>>)
      %dma_start3A_201 = arith.constant 6 : i32
      %dma_start3A_202 = arith.constant 0 : i32
      %dma_start3A_203 = arith.constant 0 : i32
      %dma_start3A_204 = arith.constant 0 : i32
      %dma_start3A_205 = arith.constant 0 : i32
      %dma_start3A_206 = tpu.memref_slice %arg6[%dma_start3A_202, %dma_start3A_204, %dma_start3A_205] : memref<6x128x128xf32, #tpu.memory_space<vmem>> -> memref<1x128x128xf32, #tpu.memory_space<vmem>>
      %dma_start3A_207 = tpu.memref_squeeze %dma_start3A_206 : memref<1x128x128xf32, #tpu.memory_space<vmem>> -> memref<128x128xf32, #tpu.memory_space<vmem>>
      %dma_start3A_208 = arith.constant 0 : i32
      %dma_start3A_209 = tpu.memref_slice %arg5[%dma_start3A_201, %dma_start3A_208] : memref<8x128xi32, #tpu.memory_space<vmem>> -> memref<1x128xi32, #tpu.memory_space<vmem>>
      %dma_start3A_210 = tpu.memref_squeeze %dma_start3A_209 : memref<1x128xi32, #tpu.memory_space<vmem>> -> memref<128xi32, #tpu.memory_space<vmem>>
      %dma_start3A_211 = arith.constant 0 : i32
      %dma_start3A_212 = arith.constant 0 : i32
      %dma_start3A_213 = tpu.memref_slice %arg3[%dma_start3A_211, %dma_start3A_212] : memref<1000000x128xf32, #tpu.memory_space<hbm>> -> memref<1000000x128xf32, #tpu.memory_space<hbm>>
      %dma_start3A_214 = tpu.memref_slice %arg7[%dma_start3A_203] : memref<6x!tpu.dma_semaphore, #tpu.memory_space<semaphore_mem>> -> memref<1x!tpu.dma_semaphore, #tpu.memory_space<semaphore_mem>>
      %dma_start3A_215 = tpu.memref_squeeze %dma_start3A_214 : memref<1x!tpu.dma_semaphore, #tpu.memory_space<semaphore_mem>> -> memref<!tpu.dma_semaphore, #tpu.memory_space<semaphore_mem>>
      tpu.enqueue_indirect_dma source(%dma_start3A_213 : memref<1000000x128xf32, #tpu.memory_space<hbm>>) target(%dma_start3A_207 : memref<128x128xf32, #tpu.memory_space<vmem>>) offsets(%dma_start3A_210 : memref<128xi32, #tpu.memory_space<vmem>>) semaphore(%dma_start3A_215 : memref<!tpu.dma_semaphore, #tpu.memory_space<semaphore_mem>>)
      %add3A_216 = arith.constant 2 : i32
      %add3A_217 = arith.addi %add3A_11, %add3A_216 : i32
      %mul3A_218 = arith.constant 128 : i32
      %mul3A_219 = arith.muli %add3A_217, %mul3A_218 : i32
      %dma_start3A_220 = arith.constant 2 : i32
      %dma_start3A_221 = arith.constant 2 : i32
      %dma_start3A_222 = arith.constant 0 : i32
      %dma_start3A_223 = arith.constant 0 : i32
      %dma_start3A_224 = tpu.memref_slice %arg6[%dma_start3A_220, %dma_start3A_222, %dma_start3A_223] : memref<6x128x128xf32, #tpu.memory_space<vmem>> -> memref<1x128x128xf32, #tpu.memory_space<vmem>>
      %dma_start3A_225 = tpu.memref_squeeze %dma_start3A_224 : memref<1x128x128xf32, #tpu.memory_space<vmem>> -> memref<128x128xf32, #tpu.memory_space<vmem>>
      %dma_start3A_226 = arith.constant 0 : i32
      %dma_start3A_227 = tpu.memref_slice %arg4[%mul3A_219, %dma_start3A_226] : memref<327680x128xf32, #tpu.memory_space<hbm>> -> memref<128x128xf32, #tpu.memory_space<hbm>>
      %dma_start3A_228 = tpu.memref_slice %arg8[%dma_start3A_221] : memref<6x!tpu.dma_semaphore, #tpu.memory_space<semaphore_mem>> -> memref<1x!tpu.dma_semaphore, #tpu.memory_space<semaphore_mem>>
      %dma_start3A_229 = tpu.memref_squeeze %dma_start3A_228 : memref<1x!tpu.dma_semaphore, #tpu.memory_space<semaphore_mem>> -> memref<!tpu.dma_semaphore, #tpu.memory_space<semaphore_mem>>
      %dma_start3A_230 = arith.constant 0 : i32
      %dma_start3A_231 = tpu.memref_slice %arg4[%mul3A_219, %dma_start3A_230] : memref<327680x128xf32, #tpu.memory_space<hbm>> -> memref<128x128xf32, #tpu.memory_space<hbm>>
      %dma_start3A_232 = arith.constant 0 : i32
      %dma_start3A_233 = arith.constant 0 : i32
      %dma_start3A_234 = tpu.memref_slice %arg6[%dma_start3A_220, %dma_start3A_232, %dma_start3A_233] : memref<6x128x128xf32, #tpu.memory_space<vmem>> -> memref<1x128x128xf32, #tpu.memory_space<vmem>>
      %dma_start3A_235 = tpu.memref_squeeze %dma_start3A_234 : memref<1x128x128xf32, #tpu.memory_space<vmem>> -> memref<128x128xf32, #tpu.memory_space<vmem>>
      tpu.enqueue_dma source(%dma_start3A_235 : memref<128x128xf32, #tpu.memory_space<vmem>>) target(%dma_start3A_231 : memref<128x128xf32, #tpu.memory_space<hbm>>) target_semaphore(%dma_start3A_229 : memref<!tpu.dma_semaphore, #tpu.memory_space<semaphore_mem>>)
      %dma_wait3A_236 = arith.constant 3 : i32
      %dma_wait3A_237 = arith.constant 3 : i32
      %dma_wait3A_238 = arith.constant 3 : i32
      %dma_wait3A_239 = arith.constant 0 : i32
      %dma_wait3A_240 = arith.constant 0 : i32
      %dma_wait3A_241 = tpu.memref_slice %arg6[%dma_wait3A_237, %dma_wait3A_239, %dma_wait3A_240] : memref<6x128x128xf32, #tpu.memory_space<vmem>> -> memref<1x128x128xf32, #tpu.memory_space<vmem>>
      %dma_wait3A_242 = tpu.memref_squeeze %dma_wait3A_241 : memref<1x128x128xf32, #tpu.memory_space<vmem>> -> memref<128x128xf32, #tpu.memory_space<vmem>>
      %dma_wait3A_243 = arith.constant 0 : i32
      %dma_wait3A_244 = tpu.memref_slice %arg5[%dma_wait3A_236, %dma_wait3A_243] : memref<8x128xi32, #tpu.memory_space<vmem>> -> memref<1x128xi32, #tpu.memory_space<vmem>>
      %dma_wait3A_245 = tpu.memref_squeeze %dma_wait3A_244 : memref<1x128xi32, #tpu.memory_space<vmem>> -> memref<128xi32, #tpu.memory_space<vmem>>
      %dma_wait3A_246 = arith.constant 0 : i32
      %dma_wait3A_247 = arith.constant 0 : i32
      %dma_wait3A_248 = tpu.memref_slice %arg3[%dma_wait3A_246, %dma_wait3A_247] : memref<1000000x128xf32, #tpu.memory_space<hbm>> -> memref<1000000x128xf32, #tpu.memory_space<hbm>>
      %dma_wait3A_249 = tpu.memref_slice %arg7[%dma_wait3A_238] : memref<6x!tpu.dma_semaphore, #tpu.memory_space<semaphore_mem>> -> memref<1x!tpu.dma_semaphore, #tpu.memory_space<semaphore_mem>>
      %dma_wait3A_250 = tpu.memref_squeeze %dma_wait3A_249 : memref<1x!tpu.dma_semaphore, #tpu.memory_space<semaphore_mem>> -> memref<!tpu.dma_semaphore, #tpu.memory_space<semaphore_mem>>
      tpu.wait_indirect_dma semaphore(%dma_wait3A_250 : memref<!tpu.dma_semaphore, #tpu.memory_space<semaphore_mem>>) src(%dma_wait3A_248 : memref<1000000x128xf32, #tpu.memory_space<hbm>>) dst(%dma_wait3A_242 : memref<128x128xf32, #tpu.memory_space<vmem>>)
      %dma_wait3A_251 = arith.constant 1 : i32
      %dma_wait3A_252 = arith.constant 1 : i32
      %dma_wait3A_253 = arith.constant 0 : i32
      %dma_wait3A_254 = arith.constant 0 : i32
      %dma_wait3A_255 = tpu.memref_slice %arg6[%dma_wait3A_251, %dma_wait3A_253, %dma_wait3A_254] : memref<6x128x128xf32, #tpu.memory_space<vmem>> -> memref<1x128x128xf32, #tpu.memory_space<vmem>>
      %dma_wait3A_256 = tpu.memref_squeeze %dma_wait3A_255 : memref<1x128x128xf32, #tpu.memory_space<vmem>> -> memref<128x128xf32, #tpu.memory_space<vmem>>
      %dma_wait3A_257 = arith.constant 0 : i32
      %dma_wait3A_258 = tpu.memref_slice %arg4[%mul3A_153, %dma_wait3A_257] : memref<327680x128xf32, #tpu.memory_space<hbm>> -> memref<128x128xf32, #tpu.memory_space<hbm>>
      %dma_wait3A_259 = tpu.memref_slice %arg8[%dma_wait3A_252] : memref<6x!tpu.dma_semaphore, #tpu.memory_space<semaphore_mem>> -> memref<1x!tpu.dma_semaphore, #tpu.memory_space<semaphore_mem>>
      %dma_wait3A_260 = tpu.memref_squeeze %dma_wait3A_259 : memref<1x!tpu.dma_semaphore, #tpu.memory_space<semaphore_mem>> -> memref<!tpu.dma_semaphore, #tpu.memory_space<semaphore_mem>>
      %dma_wait3A_261 = arith.constant 0 : i32
      %dma_wait3A_262 = tpu.memref_slice %arg4[%mul3A_153, %dma_wait3A_261] : memref<327680x128xf32, #tpu.memory_space<hbm>> -> memref<128x128xf32, #tpu.memory_space<hbm>>
      %dma_wait3A_263 = arith.constant 0 : i32
      %dma_wait3A_264 = arith.constant 0 : i32
      %dma_wait3A_265 = tpu.memref_slice %arg6[%dma_wait3A_251, %dma_wait3A_263, %dma_wait3A_264] : memref<6x128x128xf32, #tpu.memory_space<vmem>> -> memref<1x128x128xf32, #tpu.memory_space<vmem>>
      %dma_wait3A_266 = tpu.memref_squeeze %dma_wait3A_265 : memref<1x128x128xf32, #tpu.memory_space<vmem>> -> memref<128x128xf32, #tpu.memory_space<vmem>>
      tpu.wait_dma2 semaphore(%dma_wait3A_260 : memref<!tpu.dma_semaphore, #tpu.memory_space<semaphore_mem>>) src(%dma_wait3A_266 : memref<128x128xf32, #tpu.memory_space<vmem>>) dst(%dma_wait3A_262 : memref<128x128xf32, #tpu.memory_space<hbm>>)
      %dma_start3A_267 = arith.constant 7 : i32
      %dma_start3A_268 = arith.constant 1 : i32
      %dma_start3A_269 = arith.constant 1 : i32
      %dma_start3A_270 = arith.constant 0 : i32
      %dma_start3A_271 = arith.constant 0 : i32
      %dma_start3A_272 = tpu.memref_slice %arg6[%dma_start3A_268, %dma_start3A_270, %dma_start3A_271] : memref<6x128x128xf32, #tpu.memory_space<vmem>> -> memref<1x128x128xf32, #tpu.memory_space<vmem>>
      %dma_start3A_273 = tpu.memref_squeeze %dma_start3A_272 : memref<1x128x128xf32, #tpu.memory_space<vmem>> -> memref<128x128xf32, #tpu.memory_space<vmem>>
      %dma_start3A_274 = arith.constant 0 : i32
      %dma_start3A_275 = tpu.memref_slice %arg5[%dma_start3A_267, %dma_start3A_274] : memref<8x128xi32, #tpu.memory_space<vmem>> -> memref<1x128xi32, #tpu.memory_space<vmem>>
      %dma_start3A_276 = tpu.memref_squeeze %dma_start3A_275 : memref<1x128xi32, #tpu.memory_space<vmem>> -> memref<128xi32, #tpu.memory_space<vmem>>
      %dma_start3A_277 = arith.constant 0 : i32
      %dma_start3A_278 = arith.constant 0 : i32
      %dma_start3A_279 = tpu.memref_slice %arg3[%dma_start3A_277, %dma_start3A_278] : memref<1000000x128xf32, #tpu.memory_space<hbm>> -> memref<1000000x128xf32, #tpu.memory_space<hbm>>
      %dma_start3A_280 = tpu.memref_slice %arg7[%dma_start3A_269] : memref<6x!tpu.dma_semaphore, #tpu.memory_space<semaphore_mem>> -> memref<1x!tpu.dma_semaphore, #tpu.memory_space<semaphore_mem>>
      %dma_start3A_281 = tpu.memref_squeeze %dma_start3A_280 : memref<1x!tpu.dma_semaphore, #tpu.memory_space<semaphore_mem>> -> memref<!tpu.dma_semaphore, #tpu.memory_space<semaphore_mem>>
      tpu.enqueue_indirect_dma source(%dma_start3A_279 : memref<1000000x128xf32, #tpu.memory_space<hbm>>) target(%dma_start3A_273 : memref<128x128xf32, #tpu.memory_space<vmem>>) offsets(%dma_start3A_276 : memref<128xi32, #tpu.memory_space<vmem>>) semaphore(%dma_start3A_281 : memref<!tpu.dma_semaphore, #tpu.memory_space<semaphore_mem>>)
      %add3A_282 = arith.constant 3 : i32
      %add3A_283 = arith.addi %add3A_11, %add3A_282 : i32
      %mul3A_284 = arith.constant 128 : i32
      %mul3A_285 = arith.muli %add3A_283, %mul3A_284 : i32
      %dma_start3A_286 = arith.constant 3 : i32
      %dma_start3A_287 = arith.constant 3 : i32
      %dma_start3A_288 = arith.constant 0 : i32
      %dma_start3A_289 = arith.constant 0 : i32
      %dma_start3A_290 = tpu.memref_slice %arg6[%dma_start3A_286, %dma_start3A_288, %dma_start3A_289] : memref<6x128x128xf32, #tpu.memory_space<vmem>> -> memref<1x128x128xf32, #tpu.memory_space<vmem>>
      %dma_start3A_291 = tpu.memref_squeeze %dma_start3A_290 : memref<1x128x128xf32, #tpu.memory_space<vmem>> -> memref<128x128xf32, #tpu.memory_space<vmem>>
      %dma_start3A_292 = arith.constant 0 : i32
      %dma_start3A_293 = tpu.memref_slice %arg4[%mul3A_285, %dma_start3A_292] : memref<327680x128xf32, #tpu.memory_space<hbm>> -> memref<128x128xf32, #tpu.memory_space<hbm>>
      %dma_start3A_294 = tpu.memref_slice %arg8[%dma_start3A_287] : memref<6x!tpu.dma_semaphore, #tpu.memory_space<semaphore_mem>> -> memref<1x!tpu.dma_semaphore, #tpu.memory_space<semaphore_mem>>
      %dma_start3A_295 = tpu.memref_squeeze %dma_start3A_294 : memref<1x!tpu.dma_semaphore, #tpu.memory_space<semaphore_mem>> -> memref<!tpu.dma_semaphore, #tpu.memory_space<semaphore_mem>>
      %dma_start3A_296 = arith.constant 0 : i32
      %dma_start3A_297 = tpu.memref_slice %arg4[%mul3A_285, %dma_start3A_296] : memref<327680x128xf32, #tpu.memory_space<hbm>> -> memref<128x128xf32, #tpu.memory_space<hbm>>
      %dma_start3A_298 = arith.constant 0 : i32
      %dma_start3A_299 = arith.constant 0 : i32
      %dma_start3A_300 = tpu.memref_slice %arg6[%dma_start3A_286, %dma_start3A_298, %dma_start3A_299] : memref<6x128x128xf32, #tpu.memory_space<vmem>> -> memref<1x128x128xf32, #tpu.memory_space<vmem>>
      %dma_start3A_301 = tpu.memref_squeeze %dma_start3A_300 : memref<1x128x128xf32, #tpu.memory_space<vmem>> -> memref<128x128xf32, #tpu.memory_space<vmem>>
      tpu.enqueue_dma source(%dma_start3A_301 : memref<128x128xf32, #tpu.memory_space<vmem>>) target(%dma_start3A_297 : memref<128x128xf32, #tpu.memory_space<hbm>>) target_semaphore(%dma_start3A_295 : memref<!tpu.dma_semaphore, #tpu.memory_space<semaphore_mem>>)
      %dma_wait3A_302 = arith.constant 4 : i32
      %dma_wait3A_303 = arith.constant 4 : i32
      %dma_wait3A_304 = arith.constant 4 : i32
      %dma_wait3A_305 = arith.constant 0 : i32
      %dma_wait3A_306 = arith.constant 0 : i32
      %dma_wait3A_307 = tpu.memref_slice %arg6[%dma_wait3A_303, %dma_wait3A_305, %dma_wait3A_306] : memref<6x128x128xf32, #tpu.memory_space<vmem>> -> memref<1x128x128xf32, #tpu.memory_space<vmem>>
      %dma_wait3A_308 = tpu.memref_squeeze %dma_wait3A_307 : memref<1x128x128xf32, #tpu.memory_space<vmem>> -> memref<128x128xf32, #tpu.memory_space<vmem>>
      %dma_wait3A_309 = arith.constant 0 : i32
      %dma_wait3A_310 = tpu.memref_slice %arg5[%dma_wait3A_302, %dma_wait3A_309] : memref<8x128xi32, #tpu.memory_space<vmem>> -> memref<1x128xi32, #tpu.memory_space<vmem>>
      %dma_wait3A_311 = tpu.memref_squeeze %dma_wait3A_310 : memref<1x128xi32, #tpu.memory_space<vmem>> -> memref<128xi32, #tpu.memory_space<vmem>>
      %dma_wait3A_312 = arith.constant 0 : i32
      %dma_wait3A_313 = arith.constant 0 : i32
      %dma_wait3A_314 = tpu.memref_slice %arg3[%dma_wait3A_312, %dma_wait3A_313] : memref<1000000x128xf32, #tpu.memory_space<hbm>> -> memref<1000000x128xf32, #tpu.memory_space<hbm>>
      %dma_wait3A_315 = tpu.memref_slice %arg7[%dma_wait3A_304] : memref<6x!tpu.dma_semaphore, #tpu.memory_space<semaphore_mem>> -> memref<1x!tpu.dma_semaphore, #tpu.memory_space<semaphore_mem>>
      %dma_wait3A_316 = tpu.memref_squeeze %dma_wait3A_315 : memref<1x!tpu.dma_semaphore, #tpu.memory_space<semaphore_mem>> -> memref<!tpu.dma_semaphore, #tpu.memory_space<semaphore_mem>>
      tpu.wait_indirect_dma semaphore(%dma_wait3A_316 : memref<!tpu.dma_semaphore, #tpu.memory_space<semaphore_mem>>) src(%dma_wait3A_314 : memref<1000000x128xf32, #tpu.memory_space<hbm>>) dst(%dma_wait3A_308 : memref<128x128xf32, #tpu.memory_space<vmem>>)
      %add3A_317 = arith.constant 4 : i32
      %add3A_318 = arith.addi %add3A_11, %add3A_317 : i32
      %mul3A_319 = arith.constant 128 : i32
      %mul3A_320 = arith.muli %add3A_318, %mul3A_319 : i32
      %dma_start3A_321 = arith.constant 4 : i32
      %dma_start3A_322 = arith.constant 4 : i32
      %dma_start3A_323 = arith.constant 0 : i32
      %dma_start3A_324 = arith.constant 0 : i32
      %dma_start3A_325 = tpu.memref_slice %arg6[%dma_start3A_321, %dma_start3A_323, %dma_start3A_324] : memref<6x128x128xf32, #tpu.memory_space<vmem>> -> memref<1x128x128xf32, #tpu.memory_space<vmem>>
      %dma_start3A_326 = tpu.memref_squeeze %dma_start3A_325 : memref<1x128x128xf32, #tpu.memory_space<vmem>> -> memref<128x128xf32, #tpu.memory_space<vmem>>
      %dma_start3A_327 = arith.constant 0 : i32
      %dma_start3A_328 = tpu.memref_slice %arg4[%mul3A_320, %dma_start3A_327] : memref<327680x128xf32, #tpu.memory_space<hbm>> -> memref<128x128xf32, #tpu.memory_space<hbm>>
      %dma_start3A_329 = tpu.memref_slice %arg8[%dma_start3A_322] : memref<6x!tpu.dma_semaphore, #tpu.memory_space<semaphore_mem>> -> memref<1x!tpu.dma_semaphore, #tpu.memory_space<semaphore_mem>>
      %dma_start3A_330 = tpu.memref_squeeze %dma_start3A_329 : memref<1x!tpu.dma_semaphore, #tpu.memory_space<semaphore_mem>> -> memref<!tpu.dma_semaphore, #tpu.memory_space<semaphore_mem>>
      %dma_start3A_331 = arith.constant 0 : i32
      %dma_start3A_332 = tpu.memref_slice %arg4[%mul3A_320, %dma_start3A_331] : memref<327680x128xf32, #tpu.memory_space<hbm>> -> memref<128x128xf32, #tpu.memory_space<hbm>>
      %dma_start3A_333 = arith.constant 0 : i32
      %dma_start3A_334 = arith.constant 0 : i32
      %dma_start3A_335 = tpu.memref_slice %arg6[%dma_start3A_321, %dma_start3A_333, %dma_start3A_334] : memref<6x128x128xf32, #tpu.memory_space<vmem>> -> memref<1x128x128xf32, #tpu.memory_space<vmem>>
      %dma_start3A_336 = tpu.memref_squeeze %dma_start3A_335 : memref<1x128x128xf32, #tpu.memory_space<vmem>> -> memref<128x128xf32, #tpu.memory_space<vmem>>
      tpu.enqueue_dma source(%dma_start3A_336 : memref<128x128xf32, #tpu.memory_space<vmem>>) target(%dma_start3A_332 : memref<128x128xf32, #tpu.memory_space<hbm>>) target_semaphore(%dma_start3A_330 : memref<!tpu.dma_semaphore, #tpu.memory_space<semaphore_mem>>)
      %dma_wait3A_337 = arith.constant 5 : i32
      %dma_wait3A_338 = arith.constant 5 : i32
      %dma_wait3A_339 = arith.constant 5 : i32
      %dma_wait3A_340 = arith.constant 0 : i32
      %dma_wait3A_341 = arith.constant 0 : i32
      %dma_wait3A_342 = tpu.memref_slice %arg6[%dma_wait3A_338, %dma_wait3A_340, %dma_wait3A_341] : memref<6x128x128xf32, #tpu.memory_space<vmem>> -> memref<1x128x128xf32, #tpu.memory_space<vmem>>
      %dma_wait3A_343 = tpu.memref_squeeze %dma_wait3A_342 : memref<1x128x128xf32, #tpu.memory_space<vmem>> -> memref<128x128xf32, #tpu.memory_space<vmem>>
      %dma_wait3A_344 = arith.constant 0 : i32
      %dma_wait3A_345 = tpu.memref_slice %arg5[%dma_wait3A_337, %dma_wait3A_344] : memref<8x128xi32, #tpu.memory_space<vmem>> -> memref<1x128xi32, #tpu.memory_space<vmem>>
      %dma_wait3A_346 = tpu.memref_squeeze %dma_wait3A_345 : memref<1x128xi32, #tpu.memory_space<vmem>> -> memref<128xi32, #tpu.memory_space<vmem>>
      %dma_wait3A_347 = arith.constant 0 : i32
      %dma_wait3A_348 = arith.constant 0 : i32
      %dma_wait3A_349 = tpu.memref_slice %arg3[%dma_wait3A_347, %dma_wait3A_348] : memref<1000000x128xf32, #tpu.memory_space<hbm>> -> memref<1000000x128xf32, #tpu.memory_space<hbm>>
      %dma_wait3A_350 = tpu.memref_slice %arg7[%dma_wait3A_339] : memref<6x!tpu.dma_semaphore, #tpu.memory_space<semaphore_mem>> -> memref<1x!tpu.dma_semaphore, #tpu.memory_space<semaphore_mem>>
      %dma_wait3A_351 = tpu.memref_squeeze %dma_wait3A_350 : memref<1x!tpu.dma_semaphore, #tpu.memory_space<semaphore_mem>> -> memref<!tpu.dma_semaphore, #tpu.memory_space<semaphore_mem>>
      tpu.wait_indirect_dma semaphore(%dma_wait3A_351 : memref<!tpu.dma_semaphore, #tpu.memory_space<semaphore_mem>>) src(%dma_wait3A_349 : memref<1000000x128xf32, #tpu.memory_space<hbm>>) dst(%dma_wait3A_343 : memref<128x128xf32, #tpu.memory_space<vmem>>)
      %add3A_352 = arith.constant 5 : i32
      %add3A_353 = arith.addi %add3A_11, %add3A_352 : i32
      %mul3A_354 = arith.constant 128 : i32
      %mul3A_355 = arith.muli %add3A_353, %mul3A_354 : i32
      %dma_start3A_356 = arith.constant 5 : i32
      %dma_start3A_357 = arith.constant 5 : i32
      %dma_start3A_358 = arith.constant 0 : i32
      %dma_start3A_359 = arith.constant 0 : i32
      %dma_start3A_360 = tpu.memref_slice %arg6[%dma_start3A_356, %dma_start3A_358, %dma_start3A_359] : memref<6x128x128xf32, #tpu.memory_space<vmem>> -> memref<1x128x128xf32, #tpu.memory_space<vmem>>
      %dma_start3A_361 = tpu.memref_squeeze %dma_start3A_360 : memref<1x128x128xf32, #tpu.memory_space<vmem>> -> memref<128x128xf32, #tpu.memory_space<vmem>>
      %dma_start3A_362 = arith.constant 0 : i32
      %dma_start3A_363 = tpu.memref_slice %arg4[%mul3A_355, %dma_start3A_362] : memref<327680x128xf32, #tpu.memory_space<hbm>> -> memref<128x128xf32, #tpu.memory_space<hbm>>
      %dma_start3A_364 = tpu.memref_slice %arg8[%dma_start3A_357] : memref<6x!tpu.dma_semaphore, #tpu.memory_space<semaphore_mem>> -> memref<1x!tpu.dma_semaphore, #tpu.memory_space<semaphore_mem>>
      %dma_start3A_365 = tpu.memref_squeeze %dma_start3A_364 : memref<1x!tpu.dma_semaphore, #tpu.memory_space<semaphore_mem>> -> memref<!tpu.dma_semaphore, #tpu.memory_space<semaphore_mem>>
      %dma_start3A_366 = arith.constant 0 : i32
      %dma_start3A_367 = tpu.memref_slice %arg4[%mul3A_355, %dma_start3A_366] : memref<327680x128xf32, #tpu.memory_space<hbm>> -> memref<128x128xf32, #tpu.memory_space<hbm>>
      %dma_start3A_368 = arith.constant 0 : i32
      %dma_start3A_369 = arith.constant 0 : i32
      %dma_start3A_370 = tpu.memref_slice %arg6[%dma_start3A_356, %dma_start3A_368, %dma_start3A_369] : memref<6x128x128xf32, #tpu.memory_space<vmem>> -> memref<1x128x128xf32, #tpu.memory_space<vmem>>
      %dma_start3A_371 = tpu.memref_squeeze %dma_start3A_370 : memref<1x128x128xf32, #tpu.memory_space<vmem>> -> memref<128x128xf32, #tpu.memory_space<vmem>>
      tpu.enqueue_dma source(%dma_start3A_371 : memref<128x128xf32, #tpu.memory_space<vmem>>) target(%dma_start3A_367 : memref<128x128xf32, #tpu.memory_space<hbm>>) target_semaphore(%dma_start3A_365 : memref<!tpu.dma_semaphore, #tpu.memory_space<semaphore_mem>>)
      %dma_wait3A_372 = arith.constant 6 : i32
      %dma_wait3A_373 = arith.constant 0 : i32
      %dma_wait3A_374 = arith.constant 0 : i32
      %dma_wait3A_375 = arith.constant 0 : i32
      %dma_wait3A_376 = arith.constant 0 : i32
      %dma_wait3A_377 = tpu.memref_slice %arg6[%dma_wait3A_373, %dma_wait3A_375, %dma_wait3A_376] : memref<6x128x128xf32, #tpu.memory_space<vmem>> -> memref<1x128x128xf32, #tpu.memory_space<vmem>>
      %dma_wait3A_378 = tpu.memref_squeeze %dma_wait3A_377 : memref<1x128x128xf32, #tpu.memory_space<vmem>> -> memref<128x128xf32, #tpu.memory_space<vmem>>
      %dma_wait3A_379 = arith.constant 0 : i32
      %dma_wait3A_380 = tpu.memref_slice %arg5[%dma_wait3A_372, %dma_wait3A_379] : memref<8x128xi32, #tpu.memory_space<vmem>> -> memref<1x128xi32, #tpu.memory_space<vmem>>
      %dma_wait3A_381 = tpu.memref_squeeze %dma_wait3A_380 : memref<1x128xi32, #tpu.memory_space<vmem>> -> memref<128xi32, #tpu.memory_space<vmem>>
      %dma_wait3A_382 = arith.constant 0 : i32
      %dma_wait3A_383 = arith.constant 0 : i32
      %dma_wait3A_384 = tpu.memref_slice %arg3[%dma_wait3A_382, %dma_wait3A_383] : memref<1000000x128xf32, #tpu.memory_space<hbm>> -> memref<1000000x128xf32, #tpu.memory_space<hbm>>
      %dma_wait3A_385 = tpu.memref_slice %arg7[%dma_wait3A_374] : memref<6x!tpu.dma_semaphore, #tpu.memory_space<semaphore_mem>> -> memref<1x!tpu.dma_semaphore, #tpu.memory_space<semaphore_mem>>
      %dma_wait3A_386 = tpu.memref_squeeze %dma_wait3A_385 : memref<1x!tpu.dma_semaphore, #tpu.memory_space<semaphore_mem>> -> memref<!tpu.dma_semaphore, #tpu.memory_space<semaphore_mem>>
      tpu.wait_indirect_dma semaphore(%dma_wait3A_386 : memref<!tpu.dma_semaphore, #tpu.memory_space<semaphore_mem>>) src(%dma_wait3A_384 : memref<1000000x128xf32, #tpu.memory_space<hbm>>) dst(%dma_wait3A_378 : memref<128x128xf32, #tpu.memory_space<vmem>>)
      %add3A_387 = arith.constant 6 : i32
      %add3A_388 = arith.addi %add3A_11, %add3A_387 : i32
      %mul3A_389 = arith.constant 128 : i32
      %mul3A_390 = arith.muli %add3A_388, %mul3A_389 : i32
      %dma_start3A_391 = arith.constant 0 : i32
      %dma_start3A_392 = arith.constant 0 : i32
      %dma_start3A_393 = arith.constant 0 : i32
      %dma_start3A_394 = arith.constant 0 : i32
      %dma_start3A_395 = tpu.memref_slice %arg6[%dma_start3A_391, %dma_start3A_393, %dma_start3A_394] : memref<6x128x128xf32, #tpu.memory_space<vmem>> -> memref<1x128x128xf32, #tpu.memory_space<vmem>>
      %dma_start3A_396 = tpu.memref_squeeze %dma_start3A_395 : memref<1x128x128xf32, #tpu.memory_space<vmem>> -> memref<128x128xf32, #tpu.memory_space<vmem>>
      %dma_start3A_397 = arith.constant 0 : i32
      %dma_start3A_398 = tpu.memref_slice %arg4[%mul3A_390, %dma_start3A_397] : memref<327680x128xf32, #tpu.memory_space<hbm>> -> memref<128x128xf32, #tpu.memory_space<hbm>>
      %dma_start3A_399 = tpu.memref_slice %arg8[%dma_start3A_392] : memref<6x!tpu.dma_semaphore, #tpu.memory_space<semaphore_mem>> -> memref<1x!tpu.dma_semaphore, #tpu.memory_space<semaphore_mem>>
      %dma_start3A_400 = tpu.memref_squeeze %dma_start3A_399 : memref<1x!tpu.dma_semaphore, #tpu.memory_space<semaphore_mem>> -> memref<!tpu.dma_semaphore, #tpu.memory_space<semaphore_mem>>
      %dma_start3A_401 = arith.constant 0 : i32
      %dma_start3A_402 = tpu.memref_slice %arg4[%mul3A_390, %dma_start3A_401] : memref<327680x128xf32, #tpu.memory_space<hbm>> -> memref<128x128xf32, #tpu.memory_space<hbm>>
      %dma_start3A_403 = arith.constant 0 : i32
      %dma_start3A_404 = arith.constant 0 : i32
      %dma_start3A_405 = tpu.memref_slice %arg6[%dma_start3A_391, %dma_start3A_403, %dma_start3A_404] : memref<6x128x128xf32, #tpu.memory_space<vmem>> -> memref<1x128x128xf32, #tpu.memory_space<vmem>>
      %dma_start3A_406 = tpu.memref_squeeze %dma_start3A_405 : memref<1x128x128xf32, #tpu.memory_space<vmem>> -> memref<128x128xf32, #tpu.memory_space<vmem>>
      tpu.enqueue_dma source(%dma_start3A_406 : memref<128x128xf32, #tpu.memory_space<vmem>>) target(%dma_start3A_402 : memref<128x128xf32, #tpu.memory_space<hbm>>) target_semaphore(%dma_start3A_400 : memref<!tpu.dma_semaphore, #tpu.memory_space<semaphore_mem>>)
      %dma_wait3A_407 = arith.constant 7 : i32
      %dma_wait3A_408 = arith.constant 1 : i32
      %dma_wait3A_409 = arith.constant 1 : i32
      %dma_wait3A_410 = arith.constant 0 : i32
      %dma_wait3A_411 = arith.constant 0 : i32
      %dma_wait3A_412 = tpu.memref_slice %arg6[%dma_wait3A_408, %dma_wait3A_410, %dma_wait3A_411] : memref<6x128x128xf32, #tpu.memory_space<vmem>> -> memref<1x128x128xf32, #tpu.memory_space<vmem>>
      %dma_wait3A_413 = tpu.memref_squeeze %dma_wait3A_412 : memref<1x128x128xf32, #tpu.memory_space<vmem>> -> memref<128x128xf32, #tpu.memory_space<vmem>>
      %dma_wait3A_414 = arith.constant 0 : i32
      %dma_wait3A_415 = tpu.memref_slice %arg5[%dma_wait3A_407, %dma_wait3A_414] : memref<8x128xi32, #tpu.memory_space<vmem>> -> memref<1x128xi32, #tpu.memory_space<vmem>>
      %dma_wait3A_416 = tpu.memref_squeeze %dma_wait3A_415 : memref<1x128xi32, #tpu.memory_space<vmem>> -> memref<128xi32, #tpu.memory_space<vmem>>
      %dma_wait3A_417 = arith.constant 0 : i32
      %dma_wait3A_418 = arith.constant 0 : i32
      %dma_wait3A_419 = tpu.memref_slice %arg3[%dma_wait3A_417, %dma_wait3A_418] : memref<1000000x128xf32, #tpu.memory_space<hbm>> -> memref<1000000x128xf32, #tpu.memory_space<hbm>>
      %dma_wait3A_420 = tpu.memref_slice %arg7[%dma_wait3A_409] : memref<6x!tpu.dma_semaphore, #tpu.memory_space<semaphore_mem>> -> memref<1x!tpu.dma_semaphore, #tpu.memory_space<semaphore_mem>>
      %dma_wait3A_421 = tpu.memref_squeeze %dma_wait3A_420 : memref<1x!tpu.dma_semaphore, #tpu.memory_space<semaphore_mem>> -> memref<!tpu.dma_semaphore, #tpu.memory_space<semaphore_mem>>
      tpu.wait_indirect_dma semaphore(%dma_wait3A_421 : memref<!tpu.dma_semaphore, #tpu.memory_space<semaphore_mem>>) src(%dma_wait3A_419 : memref<1000000x128xf32, #tpu.memory_space<hbm>>) dst(%dma_wait3A_413 : memref<128x128xf32, #tpu.memory_space<vmem>>)
      %add3A_422 = arith.constant 7 : i32
      %add3A_423 = arith.addi %add3A_11, %add3A_422 : i32
      %mul3A_424 = arith.constant 128 : i32
      %mul3A_425 = arith.muli %add3A_423, %mul3A_424 : i32
      %dma_start3A_426 = arith.constant 1 : i32
      %dma_start3A_427 = arith.constant 1 : i32
      %dma_start3A_428 = arith.constant 0 : i32
      %dma_start3A_429 = arith.constant 0 : i32
      %dma_start3A_430 = tpu.memref_slice %arg6[%dma_start3A_426, %dma_start3A_428, %dma_start3A_429] : memref<6x128x128xf32, #tpu.memory_space<vmem>> -> memref<1x128x128xf32, #tpu.memory_space<vmem>>
      %dma_start3A_431 = tpu.memref_squeeze %dma_start3A_430 : memref<1x128x128xf32, #tpu.memory_space<vmem>> -> memref<128x128xf32, #tpu.memory_space<vmem>>
      %dma_start3A_432 = arith.constant 0 : i32
      %dma_start3A_433 = tpu.memref_slice %arg4[%mul3A_425, %dma_start3A_432] : memref<327680x128xf32, #tpu.memory_space<hbm>> -> memref<128x128xf32, #tpu.memory_space<hbm>>
      %dma_start3A_434 = tpu.memref_slice %arg8[%dma_start3A_427] : memref<6x!tpu.dma_semaphore, #tpu.memory_space<semaphore_mem>> -> memref<1x!tpu.dma_semaphore, #tpu.memory_space<semaphore_mem>>
      %dma_start3A_435 = tpu.memref_squeeze %dma_start3A_434 : memref<1x!tpu.dma_semaphore, #tpu.memory_space<semaphore_mem>> -> memref<!tpu.dma_semaphore, #tpu.memory_space<semaphore_mem>>
      %dma_start3A_436 = arith.constant 0 : i32
      %dma_start3A_437 = tpu.memref_slice %arg4[%mul3A_425, %dma_start3A_436] : memref<327680x128xf32, #tpu.memory_space<hbm>> -> memref<128x128xf32, #tpu.memory_space<hbm>>
      %dma_start3A_438 = arith.constant 0 : i32
      %dma_start3A_439 = arith.constant 0 : i32
      %dma_start3A_440 = tpu.memref_slice %arg6[%dma_start3A_426, %dma_start3A_438, %dma_start3A_439] : memref<6x128x128xf32, #tpu.memory_space<vmem>> -> memref<1x128x128xf32, #tpu.memory_space<vmem>>
      %dma_start3A_441 = tpu.memref_squeeze %dma_start3A_440 : memref<1x128x128xf32, #tpu.memory_space<vmem>> -> memref<128x128xf32, #tpu.memory_space<vmem>>
      tpu.enqueue_dma source(%dma_start3A_441 : memref<128x128xf32, #tpu.memory_space<vmem>>) target(%dma_start3A_437 : memref<128x128xf32, #tpu.memory_space<hbm>>) target_semaphore(%dma_start3A_435 : memref<!tpu.dma_semaphore, #tpu.memory_space<semaphore_mem>>)
      %dma_wait3A_442 = arith.constant 2 : i32
      %dma_wait3A_443 = arith.constant 2 : i32
      %dma_wait3A_444 = arith.constant 0 : i32
      %dma_wait3A_445 = arith.constant 0 : i32
      %dma_wait3A_446 = tpu.memref_slice %arg6[%dma_wait3A_442, %dma_wait3A_444, %dma_wait3A_445] : memref<6x128x128xf32, #tpu.memory_space<vmem>> -> memref<1x128x128xf32, #tpu.memory_space<vmem>>
      %dma_wait3A_447 = tpu.memref_squeeze %dma_wait3A_446 : memref<1x128x128xf32, #tpu.memory_space<vmem>> -> memref<128x128xf32, #tpu.memory_space<vmem>>
      %dma_wait3A_448 = arith.constant 0 : i32
      %dma_wait3A_449 = tpu.memref_slice %arg4[%mul3A_219, %dma_wait3A_448] : memref<327680x128xf32, #tpu.memory_space<hbm>> -> memref<128x128xf32, #tpu.memory_space<hbm>>
      %dma_wait3A_450 = tpu.memref_slice %arg8[%dma_wait3A_443] : memref<6x!tpu.dma_semaphore, #tpu.memory_space<semaphore_mem>> -> memref<1x!tpu.dma_semaphore, #tpu.memory_space<semaphore_mem>>
      %dma_wait3A_451 = tpu.memref_squeeze %dma_wait3A_450 : memref<1x!tpu.dma_semaphore, #tpu.memory_space<semaphore_mem>> -> memref<!tpu.dma_semaphore, #tpu.memory_space<semaphore_mem>>
      %dma_wait3A_452 = arith.constant 0 : i32
      %dma_wait3A_453 = tpu.memref_slice %arg4[%mul3A_219, %dma_wait3A_452] : memref<327680x128xf32, #tpu.memory_space<hbm>> -> memref<128x128xf32, #tpu.memory_space<hbm>>
      %dma_wait3A_454 = arith.constant 0 : i32
      %dma_wait3A_455 = arith.constant 0 : i32
      %dma_wait3A_456 = tpu.memref_slice %arg6[%dma_wait3A_442, %dma_wait3A_454, %dma_wait3A_455] : memref<6x128x128xf32, #tpu.memory_space<vmem>> -> memref<1x128x128xf32, #tpu.memory_space<vmem>>
      %dma_wait3A_457 = tpu.memref_squeeze %dma_wait3A_456 : memref<1x128x128xf32, #tpu.memory_space<vmem>> -> memref<128x128xf32, #tpu.memory_space<vmem>>
      tpu.wait_dma2 semaphore(%dma_wait3A_451 : memref<!tpu.dma_semaphore, #tpu.memory_space<semaphore_mem>>) src(%dma_wait3A_457 : memref<128x128xf32, #tpu.memory_space<vmem>>) dst(%dma_wait3A_453 : memref<128x128xf32, #tpu.memory_space<hbm>>)
      %dma_wait3A_458 = arith.constant 3 : i32
      %dma_wait3A_459 = arith.constant 3 : i32
      %dma_wait3A_460 = arith.constant 0 : i32
      %dma_wait3A_461 = arith.constant 0 : i32
      %dma_wait3A_462 = tpu.memref_slice %arg6[%dma_wait3A_458, %dma_wait3A_460, %dma_wait3A_461] : memref<6x128x128xf32, #tpu.memory_space<vmem>> -> memref<1x128x128xf32, #tpu.memory_space<vmem>>
      %dma_wait3A_463 = tpu.memref_squeeze %dma_wait3A_462 : memref<1x128x128xf32, #tpu.memory_space<vmem>> -> memref<128x128xf32, #tpu.memory_space<vmem>>
      %dma_wait3A_464 = arith.constant 0 : i32
      %dma_wait3A_465 = tpu.memref_slice %arg4[%mul3A_285, %dma_wait3A_464] : memref<327680x128xf32, #tpu.memory_space<hbm>> -> memref<128x128xf32, #tpu.memory_space<hbm>>
      %dma_wait3A_466 = tpu.memref_slice %arg8[%dma_wait3A_459] : memref<6x!tpu.dma_semaphore, #tpu.memory_space<semaphore_mem>> -> memref<1x!tpu.dma_semaphore, #tpu.memory_space<semaphore_mem>>
      %dma_wait3A_467 = tpu.memref_squeeze %dma_wait3A_466 : memref<1x!tpu.dma_semaphore, #tpu.memory_space<semaphore_mem>> -> memref<!tpu.dma_semaphore, #tpu.memory_space<semaphore_mem>>
      %dma_wait3A_468 = arith.constant 0 : i32
      %dma_wait3A_469 = tpu.memref_slice %arg4[%mul3A_285, %dma_wait3A_468] : memref<327680x128xf32, #tpu.memory_space<hbm>> -> memref<128x128xf32, #tpu.memory_space<hbm>>
      %dma_wait3A_470 = arith.constant 0 : i32
      %dma_wait3A_471 = arith.constant 0 : i32
      %dma_wait3A_472 = tpu.memref_slice %arg6[%dma_wait3A_458, %dma_wait3A_470, %dma_wait3A_471] : memref<6x128x128xf32, #tpu.memory_space<vmem>> -> memref<1x128x128xf32, #tpu.memory_space<vmem>>
      %dma_wait3A_473 = tpu.memref_squeeze %dma_wait3A_472 : memref<1x128x128xf32, #tpu.memory_space<vmem>> -> memref<128x128xf32, #tpu.memory_space<vmem>>
      tpu.wait_dma2 semaphore(%dma_wait3A_467 : memref<!tpu.dma_semaphore, #tpu.memory_space<semaphore_mem>>) src(%dma_wait3A_473 : memref<128x128xf32, #tpu.memory_space<vmem>>) dst(%dma_wait3A_469 : memref<128x128xf32, #tpu.memory_space<hbm>>)
      %dma_wait3A_474 = arith.constant 4 : i32
      %dma_wait3A_475 = arith.constant 4 : i32
      %dma_wait3A_476 = arith.constant 0 : i32
      %dma_wait3A_477 = arith.constant 0 : i32
      %dma_wait3A_478 = tpu.memref_slice %arg6[%dma_wait3A_474, %dma_wait3A_476, %dma_wait3A_477] : memref<6x128x128xf32, #tpu.memory_space<vmem>> -> memref<1x128x128xf32, #tpu.memory_space<vmem>>
      %dma_wait3A_479 = tpu.memref_squeeze %dma_wait3A_478 : memref<1x128x128xf32, #tpu.memory_space<vmem>> -> memref<128x128xf32, #tpu.memory_space<vmem>>
      %dma_wait3A_480 = arith.constant 0 : i32
      %dma_wait3A_481 = tpu.memref_slice %arg4[%mul3A_320, %dma_wait3A_480] : memref<327680x128xf32, #tpu.memory_space<hbm>> -> memref<128x128xf32, #tpu.memory_space<hbm>>
      %dma_wait3A_482 = tpu.memref_slice %arg8[%dma_wait3A_475] : memref<6x!tpu.dma_semaphore, #tpu.memory_space<semaphore_mem>> -> memref<1x!tpu.dma_semaphore, #tpu.memory_space<semaphore_mem>>
      %dma_wait3A_483 = tpu.memref_squeeze %dma_wait3A_482 : memref<1x!tpu.dma_semaphore, #tpu.memory_space<semaphore_mem>> -> memref<!tpu.dma_semaphore, #tpu.memory_space<semaphore_mem>>
      %dma_wait3A_484 = arith.constant 0 : i32
      %dma_wait3A_485 = tpu.memref_slice %arg4[%mul3A_320, %dma_wait3A_484] : memref<327680x128xf32, #tpu.memory_space<hbm>> -> memref<128x128xf32, #tpu.memory_space<hbm>>
      %dma_wait3A_486 = arith.constant 0 : i32
      %dma_wait3A_487 = arith.constant 0 : i32
      %dma_wait3A_488 = tpu.memref_slice %arg6[%dma_wait3A_474, %dma_wait3A_486, %dma_wait3A_487] : memref<6x128x128xf32, #tpu.memory_space<vmem>> -> memref<1x128x128xf32, #tpu.memory_space<vmem>>
      %dma_wait3A_489 = tpu.memref_squeeze %dma_wait3A_488 : memref<1x128x128xf32, #tpu.memory_space<vmem>> -> memref<128x128xf32, #tpu.memory_space<vmem>>
      tpu.wait_dma2 semaphore(%dma_wait3A_483 : memref<!tpu.dma_semaphore, #tpu.memory_space<semaphore_mem>>) src(%dma_wait3A_489 : memref<128x128xf32, #tpu.memory_space<vmem>>) dst(%dma_wait3A_485 : memref<128x128xf32, #tpu.memory_space<hbm>>)
      %dma_wait3A_490 = arith.constant 5 : i32
      %dma_wait3A_491 = arith.constant 5 : i32
      %dma_wait3A_492 = arith.constant 0 : i32
      %dma_wait3A_493 = arith.constant 0 : i32
      %dma_wait3A_494 = tpu.memref_slice %arg6[%dma_wait3A_490, %dma_wait3A_492, %dma_wait3A_493] : memref<6x128x128xf32, #tpu.memory_space<vmem>> -> memref<1x128x128xf32, #tpu.memory_space<vmem>>
      %dma_wait3A_495 = tpu.memref_squeeze %dma_wait3A_494 : memref<1x128x128xf32, #tpu.memory_space<vmem>> -> memref<128x128xf32, #tpu.memory_space<vmem>>
      %dma_wait3A_496 = arith.constant 0 : i32
      %dma_wait3A_497 = tpu.memref_slice %arg4[%mul3A_355, %dma_wait3A_496] : memref<327680x128xf32, #tpu.memory_space<hbm>> -> memref<128x128xf32, #tpu.memory_space<hbm>>
      %dma_wait3A_498 = tpu.memref_slice %arg8[%dma_wait3A_491] : memref<6x!tpu.dma_semaphore, #tpu.memory_space<semaphore_mem>> -> memref<1x!tpu.dma_semaphore, #tpu.memory_space<semaphore_mem>>
      %dma_wait3A_499 = tpu.memref_squeeze %dma_wait3A_498 : memref<1x!tpu.dma_semaphore, #tpu.memory_space<semaphore_mem>> -> memref<!tpu.dma_semaphore, #tpu.memory_space<semaphore_mem>>
      %dma_wait3A_500 = arith.constant 0 : i32
      %dma_wait3A_501 = tpu.memref_slice %arg4[%mul3A_355, %dma_wait3A_500] : memref<327680x128xf32, #tpu.memory_space<hbm>> -> memref<128x128xf32, #tpu.memory_space<hbm>>
      %dma_wait3A_502 = arith.constant 0 : i32
      %dma_wait3A_503 = arith.constant 0 : i32
      %dma_wait3A_504 = tpu.memref_slice %arg6[%dma_wait3A_490, %dma_wait3A_502, %dma_wait3A_503] : memref<6x128x128xf32, #tpu.memory_space<vmem>> -> memref<1x128x128xf32, #tpu.memory_space<vmem>>
      %dma_wait3A_505 = tpu.memref_squeeze %dma_wait3A_504 : memref<1x128x128xf32, #tpu.memory_space<vmem>> -> memref<128x128xf32, #tpu.memory_space<vmem>>
      tpu.wait_dma2 semaphore(%dma_wait3A_499 : memref<!tpu.dma_semaphore, #tpu.memory_space<semaphore_mem>>) src(%dma_wait3A_505 : memref<128x128xf32, #tpu.memory_space<vmem>>) dst(%dma_wait3A_501 : memref<128x128xf32, #tpu.memory_space<hbm>>)
      %dma_wait3A_506 = arith.constant 0 : i32
      %dma_wait3A_507 = arith.constant 0 : i32
      %dma_wait3A_508 = arith.constant 0 : i32
      %dma_wait3A_509 = arith.constant 0 : i32
      %dma_wait3A_510 = tpu.memref_slice %arg6[%dma_wait3A_506, %dma_wait3A_508, %dma_wait3A_509] : memref<6x128x128xf32, #tpu.memory_space<vmem>> -> memref<1x128x128xf32, #tpu.memory_space<vmem>>
      %dma_wait3A_511 = tpu.memref_squeeze %dma_wait3A_510 : memref<1x128x128xf32, #tpu.memory_space<vmem>> -> memref<128x128xf32, #tpu.memory_space<vmem>>
      %dma_wait3A_512 = arith.constant 0 : i32
      %dma_wait3A_513 = tpu.memref_slice %arg4[%mul3A_390, %dma_wait3A_512] : memref<327680x128xf32, #tpu.memory_space<hbm>> -> memref<128x128xf32, #tpu.memory_space<hbm>>
      %dma_wait3A_514 = tpu.memref_slice %arg8[%dma_wait3A_507] : memref<6x!tpu.dma_semaphore, #tpu.memory_space<semaphore_mem>> -> memref<1x!tpu.dma_semaphore, #tpu.memory_space<semaphore_mem>>
      %dma_wait3A_515 = tpu.memref_squeeze %dma_wait3A_514 : memref<1x!tpu.dma_semaphore, #tpu.memory_space<semaphore_mem>> -> memref<!tpu.dma_semaphore, #tpu.memory_space<semaphore_mem>>
      %dma_wait3A_516 = arith.constant 0 : i32
      %dma_wait3A_517 = tpu.memref_slice %arg4[%mul3A_390, %dma_wait3A_516] : memref<327680x128xf32, #tpu.memory_space<hbm>> -> memref<128x128xf32, #tpu.memory_space<hbm>>
      %dma_wait3A_518 = arith.constant 0 : i32
      %dma_wait3A_519 = arith.constant 0 : i32
      %dma_wait3A_520 = tpu.memref_slice %arg6[%dma_wait3A_506, %dma_wait3A_518, %dma_wait3A_519] : memref<6x128x128xf32, #tpu.memory_space<vmem>> -> memref<1x128x128xf32, #tpu.memory_space<vmem>>
      %dma_wait3A_521 = tpu.memref_squeeze %dma_wait3A_520 : memref<1x128x128xf32, #tpu.memory_space<vmem>> -> memref<128x128xf32, #tpu.memory_space<vmem>>
      tpu.wait_dma2 semaphore(%dma_wait3A_515 : memref<!tpu.dma_semaphore, #tpu.memory_space<semaphore_mem>>) src(%dma_wait3A_521 : memref<128x128xf32, #tpu.memory_space<vmem>>) dst(%dma_wait3A_517 : memref<128x128xf32, #tpu.memory_space<hbm>>)
      %dma_wait3A_522 = arith.constant 1 : i32
      %dma_wait3A_523 = arith.constant 1 : i32
      %dma_wait3A_524 = arith.constant 0 : i32
      %dma_wait3A_525 = arith.constant 0 : i32
      %dma_wait3A_526 = tpu.memref_slice %arg6[%dma_wait3A_522, %dma_wait3A_524, %dma_wait3A_525] : memref<6x128x128xf32, #tpu.memory_space<vmem>> -> memref<1x128x128xf32, #tpu.memory_space<vmem>>
      %dma_wait3A_527 = tpu.memref_squeeze %dma_wait3A_526 : memref<1x128x128xf32, #tpu.memory_space<vmem>> -> memref<128x128xf32, #tpu.memory_space<vmem>>
      %dma_wait3A_528 = arith.constant 0 : i32
      %dma_wait3A_529 = tpu.memref_slice %arg4[%mul3A_425, %dma_wait3A_528] : memref<327680x128xf32, #tpu.memory_space<hbm>> -> memref<128x128xf32, #tpu.memory_space<hbm>>
      %dma_wait3A_530 = tpu.memref_slice %arg8[%dma_wait3A_523] : memref<6x!tpu.dma_semaphore, #tpu.memory_space<semaphore_mem>> -> memref<1x!tpu.dma_semaphore, #tpu.memory_space<semaphore_mem>>
      %dma_wait3A_531 = tpu.memref_squeeze %dma_wait3A_530 : memref<1x!tpu.dma_semaphore, #tpu.memory_space<semaphore_mem>> -> memref<!tpu.dma_semaphore, #tpu.memory_space<semaphore_mem>>
      %dma_wait3A_532 = arith.constant 0 : i32
      %dma_wait3A_533 = tpu.memref_slice %arg4[%mul3A_425, %dma_wait3A_532] : memref<327680x128xf32, #tpu.memory_space<hbm>> -> memref<128x128xf32, #tpu.memory_space<hbm>>
      %dma_wait3A_534 = arith.constant 0 : i32
      %dma_wait3A_535 = arith.constant 0 : i32
      %dma_wait3A_536 = tpu.memref_slice %arg6[%dma_wait3A_522, %dma_wait3A_534, %dma_wait3A_535] : memref<6x128x128xf32, #tpu.memory_space<vmem>> -> memref<1x128x128xf32, #tpu.memory_space<vmem>>
      %dma_wait3A_537 = tpu.memref_squeeze %dma_wait3A_536 : memref<1x128x128xf32, #tpu.memory_space<vmem>> -> memref<128x128xf32, #tpu.memory_space<vmem>>
      tpu.wait_dma2 semaphore(%dma_wait3A_531 : memref<!tpu.dma_semaphore, #tpu.memory_space<semaphore_mem>>) src(%dma_wait3A_537 : memref<128x128xf32, #tpu.memory_space<vmem>>) dst(%dma_wait3A_533 : memref<128x128xf32, #tpu.memory_space<hbm>>)
    }
    %scan3A_7 = arith.constant 10 : i32
    return
  }
}

</mosaic_0001>

<sc_bundles>
// kernel: kernel.3.cloned.1.call-start
scs
__scs_entry_jumppad:
0x0: {  	(pc) =	sbr.rel $0x88, $3  }
0x1: {  	(tag) =	ssettag $0x0;
	lr =	simm.s32 $0x1  }
0x2: {  	[smem:$0x3F9F] =	sst lr;
	_ =	strace $0xD0000000  }
0x3: {  	_ = 	snop  }
0x4: {  	_ = 	snop  }
0x5: {  	_ = 	snop  }
0x6: {  	_ = 	snop  }
0x7: {  	_ = 	snop  }
__scs_overlays_trampoline_lowered:
0x8: {  	[smem:$0x3FAE] =	sst s0  }
0x9: {  	[smem:$0x3FAF] =	sst s1  }
0xa: {  	[smem:$0x3FB0] =	sst s2  }
0xb: {  	[smem:$0x3FB1] =	sst s3  }
0xc: {  	[smem:$0x3FB2] =	sst s4  }
0xd: {  	[smem:$0x3FB3] =	sst s5  }
0xe: {  	[smem:$0x3FB4] =	sst s6  }
0xf: {  	[smem:$0x3FB5] =	sst s7  }
0x10: {  	[smem:$0x3FB6] =	sst s8  }
0x11: {  	[smem:$0x3FB7] =	sst s9;
	s0 =	simm.s32 @!p0 $0x0  }
0x12: {  	s1 =	sld [smem:$0x3F9D];
	s0 =	simm.s32 @p0 $0x1  }
0x13: {  	[smem:$0x3FB8] =	sst s0;
	s0 =	simm.s32 @!p1 $0x0  }
0x14: {  	s2 =	sld [smem:$0x3F9C];
	s0 =	simm.s32 @p1 $0x1  }
0x15: {  	[smem:$0x3FB9] =	sst s0;
	s0 =	simm.s32 @!p2 $0x0  }
0x16: {  	s3 =	sld [smem:$0x3FDB];
	s0 =	simm.s32 @p2 $0x1  }
0x17: {  	s4 =	simm.s32 $0x1BF5;
	[smem:$0x3FBB] =	sst s0  }
0x18: {  	s0 =	sld [smem:$0x3F9E];
	_ =	swait.ge [sflag:s4], $0x0  }
0x19: {  	s7 =	sld [smem:$0x3F9F]  }
0x1a: {  	s8 =	sadd.s32 $0xFFFFE003, lr  }
0x1b: {  	s9 =	sadd.s32 $0xFFFFFEF7, lr;
	s5 =	simm.s32 $0xFFFFFFFF;
	p2 =	slt.u32 s8, $0xFFFFF086  }
0x1c: {  	p1 =	slt.u32 s9, $0xF7A;
	s5 =	simm.s32 @!p2 $0x0  }
0x1d: {  	s5 =	simm.s32 @p1 $0x1;
	p0 =	seq.s32 s7, s2  }
0x1e: {  	s7 =	smul.u32 @!p0 $0xF7A, s2;
	p2 =	seq.s32 @!p0 s5, $0x0  }
0x1f: {  	s9 =	smul.u32 $0xF7A, s1;
	s8 =	simm.s32 @!p0 $0x1BF5;
	p2 =	por !p2, p0  }
0x20: {  	[sflag:s8] =	ssyncset.s32 @!p0 $0xFFFFF086;
	s6 =	sadd.s32 @!p0 s3, s7;
	s7 =	simm.s32 @!p0 $0x108  }
0x21: {  	s3 =	sadd.s32 s3, s9;
	s6 =	sadd.s32 @!p0 $0x88, s6;
	s7 =	simm.s32 @p2 $0x1082  }
0x22: {  	[simem:s7], [sflag:s8] =	dma.local @!p0 [hbm:s6], $0xF7A  }
0x23: {  	s9 =	sor.u32 $0xD0000000, s2;
	s6 =	simm.s32 $0x108;
	_ =	swait.ge @!p0 [sflag:s8], $0x0  }
0x24: {  	s3 =	sadd.s32 $0x88, s3;
	s6 =	simm.s32 @!p1 $0x1082;
	[sflag:s4] =	ssyncset.s32 $0xFFFFF086  }
0x25: {  	[simem:s6], [sflag:s4] =	dma.local [hbm:s3], $0xF7A  }
0x26: {  	[smem:$0x3F9F] =	sst s1;
	(tag) =	ssettag s2;
	_ =	strace s9  }
0x27: {  	s1 =	sld [smem:$0x3FAF]  }
0x28: {  	s2 =	sld [smem:$0x3FB0]  }
0x29: {  	s4 =	sld [smem:$0x3FB2]  }
0x2a: {  	p0 =	seq.s32 s5, $0x0;
	s5 =	sld [smem:$0x3FB3]  }
0x2b: {  	s6 =	sld [smem:$0x3FB4]  }
0x2c: {  	s7 =	sld [smem:$0x3FB5]  }
0x2d: {  	s3 =	simm.s32 $0x108;
	s8 =	sld [smem:$0x3FB6]  }
0x2e: {  	s3 =	simm.s32 @!p0 $0x1082;
	s9 =	sld [smem:$0x3FB7]  }
0x2f: {  	lr =	sadd.s32 s0, s3;
	s0 =	sld [smem:$0x3FAE]  }
0x30: {  	s3 =	sld [smem:$0x3FB1]  }
0x31: {  	[smem:$0x3FBA] =	sst s10  }
0x32: {  	s10 =	sld [smem:$0x3FB8];
	_ =	sdelay $0x3  }
0x33: {  	p0 =	seq.s32 s10, $0x1;
	s10 =	sld [smem:$0x3FBA];
	_ =	sdelay $0x3  }
0x34: {  	[smem:$0x3FBA] =	sst s10  }
0x35: {  	s10 =	sld [smem:$0x3FB9];
	_ =	sdelay $0x3  }
0x36: {  	p1 =	seq.s32 s10, $0x1;
	s10 =	sld [smem:$0x3FBA];
	_ =	sdelay $0x3  }
0x37: {  	[smem:$0x3FBA] =	sst s10  }
0x38: {  	s10 =	sld [smem:$0x3FBB]  }
0x39: {  	_ = 	snop;
	(pc) =	sbr.ind lr, $3  }
0x3a: {  	_ = 	snop  }
0x3b: {  	_ = 	snop  }
0x3c: {  	p2 =	seq.s32 s10, $0x1;
	s10 =	sld [smem:$0x3FBA]  }
0x3d: {  	_ =	shalt  }
0x3e: {  	_ =	shalt  }
0x3f: {  	_ =	shalt  }
0x40: {  	_ =	shalt  }
0x41: {  	_ =	shalt  }
0x42: {  	_ =	shalt  }
0x43: {  	_ =	shalt  }
0x44: {  	_ =	shalt  }
0x45: {  	_ =	shalt  }
0x46: {  	_ =	shalt  }
0x47: {  	_ =	shalt  }
0x48: {  	_ =	shalt  }
0x49: {  	_ =	shalt  }
0x4a: {  	_ =	shalt  }
0x4b: {  	_ =	shalt  }
0x4c: {  	_ =	shalt  }
0x4d: {  	_ =	shalt  }
0x4e: {  	_ =	shalt  }
0x4f: {  	_ =	shalt  }
0x50: {  	_ =	shalt  }
0x51: {  	_ =	shalt  }
0x52: {  	_ =	shalt  }
0x53: {  	_ =	shalt  }
0x54: {  	_ =	shalt  }
0x55: {  	_ =	shalt  }
0x56: {  	_ =	shalt  }
0x57: {  	_ =	shalt  }
0x58: {  	_ =	shalt  }
0x59: {  	_ =	shalt  }
0x5a: {  	_ =	shalt  }
0x5b: {  	_ =	shalt  }
0x5c: {  	_ =	shalt  }
0x5d: {  	_ =	shalt  }
0x5e: {  	_ =	shalt  }
0x5f: {  	_ =	shalt  }
0x60: {  	_ =	shalt  }
0x61: {  	_ =	shalt  }
0x62: {  	_ =	shalt  }
0x63: {  	_ =	shalt  }
0x64: {  	_ =	shalt  }
0x65: {  	_ =	shalt  }
0x66: {  	_ =	shalt  }
0x67: {  	_ =	shalt  }
0x68: {  	_ =	shalt  }
0x69: {  	_ =	shalt  }
0x6a: {  	_ =	shalt  }
0x6b: {  	_ =	shalt  }
0x6c: {  	_ =	shalt  }
0x6d: {  	_ =	shalt  }
0x6e: {  	_ =	shalt  }
0x6f: {  	_ =	shalt  }
0x70: {  	_ =	shalt  }
0x71: {  	_ =	shalt  }
0x72: {  	_ =	shalt  }
0x73: {  	_ =	shalt  }
0x74: {  	_ =	shalt  }
0x75: {  	_ =	shalt  }
0x76: {  	_ =	shalt  }
0x77: {  	_ =	shalt  }
0x78: {  	_ =	shalt  }
0x79: {  	_ =	shalt  }
0x7a: {  	_ =	shalt  }
0x7b: {  	_ =	shalt  }
0x7c: {  	_ =	shalt  }
0x7d: {  	_ =	shalt  }
0x7e: {  	_ =	shalt  }
0x7f: {  	_ =	shalt  }
0x80: {  	_ =	shalt  }
0x81: {  	_ =	shalt  }
0x82: {  	_ =	shalt  }
0x83: {  	_ =	shalt  }
0x84: {  	_ =	shalt  }
0x85: {  	_ =	shalt  }
0x86: {  	_ =	shalt  }
0x87: {  	_ =	shalt  }
.Lfunc_end0:
.L_simem_size_0:
called_computation.1_lowered:
.L_overlay_start_0:
0x88: {  	s2 =	sld [smem:$0x3FD9]  }
0x89: {  	s3 =	sld [smem:$0x3FFE];
	_ =	sdelay $0x1  }
0x8a: {  	s1 =	srdreg.scid  }
0x8b: {  	s0 =	sand.u32 $0x1, s1  }
0x8c: {  	s17 =	sshll.u32 s0, $0xA;
	s2 =	sadd.s32 s3, s2  }
0x8d: {  	s2 =	sadd.s32 s2, s17  }
0x8e: {  	[smem:$0x3FC6] =	sst s2  }
0x8f: {  	_ = 	snop  }
0x90: {  	s2 =	sld [smem:$0x3FD0];
	(tm) =	ssettm $0x1  }
0x91: {  	s18 =	sld [smem:$0x3FFB];
	_ =	sdelay $0x3  }
0x92: {  	_ =	strace s18  }
0x93: {  	s3 =	sld [smem:$0x3FFC];
	_ =	sdelay $0x3  }
0x94: {  	_ =	strace s3  }
0x95: {  	s3 =	sld [smem:$0x3FFD];
	_ =	sdelay $0x3  }
0x96: {  	_ =	strace s3  }
0x97: {  	_ =	strace $0x8FFFFFFF  }
0x98: {  	s19 =	sld [smem:$0x3FDB];
	_ =	sdelay $0x1  }
0x99: {  	s4 =	simm.s32 $_scs_section_size  }
0x9a: {  	s5 =	simm.s32 $_size__tile_overlayer_lowered;
	s6 =	simm.s32 $_tile_overlayer_lowered  }
0x9b: {  	s22 =	simm.s32 $0x1BFF;
	s21 =	sshll.u32 s6, $0x1;
	s3 =	sadd.s32 s4, s19  }
0x9c: {  	s7 =	simm.s32 $0x0;
	s20 =	sshll.u32 s5, $0x1;
	s5 =	sadd.s32 s21, s3  }
0x9d: {  	[timem:s7], [sflag:s22] =	dma.local [hbm:s5], s20  }
0x9e: {  	_ =	swait.ge [sflag:s22], s20  }
0x9f: {  	s4 =	ssub.s32 $0x0, s20;
	[sflag:s22] =	ssyncset.done $0x0  }
0xa0: {  	[sflag:s22] =	ssyncadd.s32 s4;
	_ =	sdelay $0x1  }
0xa1: {  	s23 =	simm.s32 $0x1B8B  }
0xa2: {  	_ =	swait.ge [sflag:s23], $0x1  }
0xa3: {  	[sflag:s23] =	ssyncset.done $0x0  }
0xa4: {  	s25 =	simm.s32 $0x1B8E;
	s24 =	sld [smem:$0x3FFE];
	[sflag:s23] =	ssyncadd.s32 $0xFFFFFFFF  }
0xa5: {  	s26 =	simm.s32 $execute0_lowered;
	[smem:$0x3FD2] =	sst s25  }
0xa6: {  	s5 =	sshll.u32 s26, $0x1;
	_ =	strace $0x80000046;
	[dreg:$0x1] =	wrdreg $0xFFFFFFFF  }
0xa7: {  	s28 =	simm.s32 $_size_execute0_lowered;
	s3 =	sadd.s32 s3, s5;
	[dreg:$0x0] =	wrdreg $0x0  }
0xa8: {  	s5 =	sshll.u32 s28, $0x1;
	[dreg:$0x2] =	wrdreg s3  }
0xa9: {  	[dreg:$0x3] =	wrdreg s5  }
0xaa: {  	[dreg:$0x4] =	wrdreg $0xC0  }
0xab: {  	_ =	task [dreg:s7], $0x5FFFF  }
0xac: {  	[dreg:$0x1] =	wrdreg $0xFFFFFFFF  }
0xad: {  	[dreg:$0x0] =	wrdreg $0x60  }
0xae: {  	[dreg:$0x2] =	wrdreg s2  }
0xaf: {  	[dreg:$0x3] =	wrdreg s24  }
0xb0: {  	[dreg:$0x4] =	wrdreg $0x9  }
0xb1: {  	_ =	task.clear_ibuf [dreg:s7], $0x5FFFF;
	_ =	strace $0x90000046  }
0xb2: {  	s29 =	simm.s32 $0x9;
	_ =	strace $0x80000048  }
0xb3: {  	_ =	swait.ge [sflag:s29], $0x1  }
0xb4: {  	[sflag:s29] =	ssyncadd.s32 $0xFFFFFFFF  }
0xb5: {  	_ =	strace $0x90000048  }
0xb6: {  	_ =	sfence  }
0xb7: {  	s30 =	sld [smem:$0x0];
	_ =	sdelay $0x2  }
0xb8: {  	s31 =	sshll.u32 s1, $0xD;
	s1 =	sshrl.u32 s1, $0x2  }
0xb9: {  	s3 =	sand.u32 $0x4000, s31;
	s1 =	sadd.s32 s1, s30  }
0xba: {  	s0 =	sor.u32 s3, s0;
	s1 =	sshll.u32 s1, $0x11  }
0xbb: {  	s0 =	sor.u32 s1, s0  }
0xbc: {  	s0 =	sadd.s32 $0x8F2B, s0  }
0xbd: {  	[sflag:s0] =	ssyncadd.remote.s32 $0x1  }
0xbe: {  	_ =	sfence.sel $0xFFFF  }
0xbf: {  	[dreg:$0x0] =	wrdreg $0xFFFFFFFF;
	(pc) =	sbr.abs _section_cstart, $3  }
0xc0: {  	[dreg:$0x1] =	wrdreg $0xFFFFFFFF  }
0xc1: {  	_ =	task.clear_ibuf [dreg:s7], $0x2FFFF;
	_ =	strace $0x9FFFFFFF  }
0xc2: {  	(tm) =	ssettm $0x7FFFFFFF  }
0xc3: {  	_ =	shalt  }
tec
execute0_lowered:
.L_overlay_start_1:
0x0: {  	(tag) =	ssettag $0x1  }
0x1: {  	s4 =	rddreg [dreg:$0x0]  }
0x2: {  	s5 =	rddreg [dreg:$0x1]  }
0x3: {  	s2 =	simm.s32 $0x0;
	s1 =	stileid.u32;
	s3 =	srdreg.scid  }
0x4: {  	s31 =	simm.s32 $0x100;
	s11 =	simm.s32 $0x180;
	s12 =	simm.s32 $0x1  }
0x5: {  	s13 =	simm.s32 $0x200;
	s15 =	simm.s32 $0x280;
	s14 =	simm.s32 $0x2  }
0x6: {  	s16 =	simm.s32 $0x3;
	s17 =	simm.s32 $0x7;
	s18 =	simm.s32 $0x300  }
0x7: {  	s20 =	simm.s32 $0x380;
	s19 =	simm.s32 $0x8;
	s21 =	simm.s32 $0x6  }
0x8: {  	s22 =	simm.s32 $0x9;
	s23 =	simm.s32 $0xA;
	s24 =	simm.s32 $0xB  }
0x9: {  	s25 =	simm.s32 $0xC;
	s26 =	simm.s32 $0x0;
	[smem:$0x7FF] =	sst s2  }
0xa: {  	s6 =	smul.u32 $0x50000, s1;
	_ =	strace $0x80000047;
	[dreg:$0x4] =	wrdreg s31  }
0xb: {  	s7 =	sand.u32 $0x1, s3;
	s9 =	smul.u32 $0xA00, s1;
	[dreg:$0x5] =	wrdreg s11  }
0xc: {  	s3 =	sadd.s32 $0xF42E00, s5;
	s8 =	smul.u32 $0x28000, s7;
	[dreg:$0x6] =	wrdreg s13  }
0xd: {  	s28 =	ssub.s32 $0x2, s7;
	s7 =	smul.u32 $0x500, s7;
	[dreg:$0x7] =	wrdreg s15  }
0xe: {  	s11 =	simm.s32 $0xC400;
	s13 =	simm.s32 $0x10400;
	[dreg:$0x8] =	wrdreg s18  }
0xf: {  	s15 =	simm.s32 $0x14400;
	s18 =	simm.s32 $0x4;
	[dreg:$0x9] =	wrdreg s20  }
0x10: {  	s20 =	simm.s32 $0x5;
	s5 =	sadd.s32 s6, s5;
	s10 =	sshrl.u32 s28, $0x1  }
0x11: {  	s29 =	sadd.s32 s9, s4;
	s9 =	simm.s32 $0x4400;
	s5 =	sadd.s32 s8, s5  }
0x12: {  	s6 =	ssub.s32 s28, s10;
	s8 =	simm.s32 $0x400;
	s10 =	simm.s32 $0x8400  }
0x13: {  	s30 =	sadd.s32 $0xA00, s5;
	s4 =	smax.u32 s6, $0x1;
	s5 =	sadd.s32 s7, s29  }
0x14: {  	s6 =	simm.s32 $0xD;
	s7 =	simm.s32 $0x80;
	[dreg:$0x3] =	wrdreg s30  }
.LBB2_1:
0x15: {  	[tilespmem:s2], [sflag:$0xD] =	stream.linear.gather [hbm4b:s5+s2], $0x400, $0x38;
	[tilespmem:$0x18400] =	vst v63  }
0x16: {  	_ =	swait.ge [sflag:s6], $0x400  }
0x17: {  	[sflag:s6] =	ssyncset.done $0x0  }
0x18: {  	[sflag:s6] =	ssyncadd.s32 $0xFFFFFC00  }
0x19: {  	[tilespmem:s8], [sflag:$0x1] =	stream.indirect.gather [hbm4b:s3+s7], $0x80, s2, s7, $0xb8;
	[tilespmem:$0x18400] =	vst v63  }
0x1a: {  	_ = 	snop  }
0x1b: {  	[tilespmem:s9], [sflag:$0x2] =	stream.indirect.gather [hbm4b:s3+s7], $0x80, s7, s7, $0xb8;
	[tilespmem:$0x18400] =	vst v63  }
0x1c: {  	s28 =	rddreg [dreg:$0x4]  }
0x1d: {  	[tilespmem:s10], [sflag:$0x3] =	stream.indirect.gather [hbm4b:s3+s7], $0x80, s28, s7, $0xb8;
	[tilespmem:$0x18400] =	vst v63  }
0x1e: {  	s29 =	rddreg [dreg:$0x5]  }
0x1f: {  	[tilespmem:s11], [sflag:$0x4] =	stream.indirect.gather [hbm4b:s3+s7], $0x80, s29, s7, $0xb8;
	[tilespmem:$0x18400] =	vst v63  }
0x20: {  	_ =	swait.ge [sflag:s12], $0x4000  }
0x21: {  	s28 =	rddreg [dreg:$0x6];
	[sflag:s12] =	ssyncset.done $0x0  }
0x22: {  	s29 =	rddreg [dreg:$0x3];
	[sflag:s12] =	ssyncadd.s32 $0xFFFFC000  }
0x23: {  	[tilespmem:s13], [sflag:$0x5] =	stream.indirect.gather [hbm4b:s3+s7], $0x80, s28, s7, $0xb8;
	[tilespmem:$0x18400] =	vst v63  }
0x24: {  	s28 =	sadd.s32 $0x0, s29  }
0x25: {  	[hbm4b:s28+s2] =	stream.linear.scatter [tilespmem:s8], [sflag:$0x7], $0x4000, $0x38;
	[tilespmem:$0x18400] =	vst v63  }
0x26: {  	_ =	swait.ge [sflag:s14], $0x4000  }
0x27: {  	[sflag:s14] =	ssyncset.done $0x0  }
0x28: {  	s29 =	rddreg [dreg:$0x7];
	[sflag:s14] =	ssyncadd.s32 $0xFFFFC000  }
0x29: {  	[tilespmem:s15], [sflag:$0x6] =	stream.indirect.gather [hbm4b:s3+s7], $0x80, s29, s7, $0xb8;
	[tilespmem:$0x18400] =	vst v63  }
0x2a: {  	s29 =	sadd.s32 $0x800, s28  }
0x2b: {  	[hbm4b:s29+s2] =	stream.linear.scatter [tilespmem:s9], [sflag:$0x8], $0x4000, $0x38;
	[tilespmem:$0x18400] =	vst v63  }
0x2c: {  	_ =	swait.ge [sflag:s16], $0x4000  }
0x2d: {  	[sflag:s16] =	ssyncset.done $0x0  }
0x2e: {  	[sflag:s16] =	ssyncadd.s32 $0xFFFFC000  }
0x2f: {  	_ =	swait.ge [sflag:s17], $0x4000  }
0x30: {  	[sflag:s17] =	ssyncset.done $0x0  }
0x31: {  	s29 =	rddreg [dreg:$0x8];
	[sflag:s17] =	ssyncadd.s32 $0xFFFFC000  }
0x32: {  	[tilespmem:s8], [sflag:$0x1] =	stream.indirect.gather [hbm4b:s3+s7], $0x80, s29, s7, $0xb8;
	[tilespmem:$0x18400] =	vst v63  }
0x33: {  	s29 =	sadd.s32 $0x1000, s28  }
0x34: {  	[hbm4b:s29+s2] =	stream.linear.scatter [tilespmem:s10], [sflag:$0x9], $0x4000, $0x38;
	[tilespmem:$0x18400] =	vst v63  }
0x35: {  	_ =	swait.ge [sflag:s18], $0x4000  }
0x36: {  	[sflag:s18] =	ssyncset.done $0x0  }
0x37: {  	[sflag:s18] =	ssyncadd.s32 $0xFFFFC000  }
0x38: {  	_ =	swait.ge [sflag:s19], $0x4000  }
0x39: {  	[sflag:s19] =	ssyncset.done $0x0  }
0x3a: {  	s29 =	rddreg [dreg:$0x9];
	[sflag:s19] =	ssyncadd.s32 $0xFFFFC000  }
0x3b: {  	[tilespmem:s9], [sflag:$0x2] =	stream.indirect.gather [hbm4b:s3+s7], $0x80, s29, s7, $0xb8;
	[tilespmem:$0x18400] =	vst v63  }
0x3c: {  	s29 =	sadd.s32 $0x1800, s28  }
0x3d: {  	[hbm4b:s29+s2] =	stream.linear.scatter [tilespmem:s11], [sflag:$0xA], $0x4000, $0x38;
	[tilespmem:$0x18400] =	vst v63  }
0x3e: {  	_ =	swait.ge [sflag:s20], $0x4000  }
0x3f: {  	[sflag:s20] =	ssyncset.done $0x0  }
0x40: {  	s29 =	sadd.s32 $0x2000, s28;
	[sflag:s20] =	ssyncadd.s32 $0xFFFFC000  }
0x41: {  	[hbm4b:s29+s2] =	stream.linear.scatter [tilespmem:s13], [sflag:$0xB], $0x4000, $0x38;
	[tilespmem:$0x18400] =	vst v63  }
0x42: {  	_ =	swait.ge [sflag:s21], $0x4000  }
0x43: {  	[sflag:s21] =	ssyncset.done $0x0  }
0x44: {  	s29 =	sadd.s32 $0x2800, s28;
	[sflag:s21] =	ssyncadd.s32 $0xFFFFC000  }
0x45: {  	[hbm4b:s29+s2] =	stream.linear.scatter [tilespmem:s15], [sflag:$0xC], $0x4000, $0x38;
	[tilespmem:$0x18400] =	vst v63  }
0x46: {  	_ =	swait.ge [sflag:s12], $0x4000  }
0x47: {  	[sflag:s12] =	ssyncset.done $0x0  }
0x48: {  	s29 =	sadd.s32 $0x3000, s28;
	[sflag:s12] =	ssyncadd.s32 $0xFFFFC000  }
0x49: {  	[hbm4b:s29+s2] =	stream.linear.scatter [tilespmem:s8], [sflag:$0x7], $0x4000, $0x38;
	[tilespmem:$0x18400] =	vst v63  }
0x4a: {  	_ =	swait.ge [sflag:s14], $0x4000  }
0x4b: {  	[sflag:s14] =	ssyncset.done $0x0  }
0x4c: {  	s28 =	sadd.s32 $0x3800, s28;
	[sflag:s14] =	ssyncadd.s32 $0xFFFFC000  }
0x4d: {  	[hbm4b:s28+s2] =	stream.linear.scatter [tilespmem:s9], [sflag:$0x8], $0x4000, $0x38;
	[tilespmem:$0x18400] =	vst v63  }
0x4e: {  	_ =	swait.ge [sflag:s22], $0x4000  }
0x4f: {  	[sflag:s22] =	ssyncset.done $0x0  }
0x50: {  	[sflag:s22] =	ssyncadd.s32 $0xFFFFC000  }
0x51: {  	_ =	swait.ge [sflag:s23], $0x4000  }
0x52: {  	[sflag:s23] =	ssyncset.done $0x0  }
0x53: {  	[sflag:s23] =	ssyncadd.s32 $0xFFFFC000  }
0x54: {  	_ =	swait.ge [sflag:s24], $0x4000  }
0x55: {  	[sflag:s24] =	ssyncset.done $0x0  }
0x56: {  	[sflag:s24] =	ssyncadd.s32 $0xFFFFC000  }
0x57: {  	_ =	swait.ge [sflag:s25], $0x4000  }
0x58: {  	[sflag:s25] =	ssyncset.done $0x0  }
0x59: {  	[sflag:s25] =	ssyncadd.s32 $0xFFFFC000  }
0x5a: {  	_ =	swait.ge [sflag:s17], $0x4000  }
0x5b: {  	[sflag:s17] =	ssyncset.done $0x0  }
0x5c: {  	[sflag:s17] =	ssyncadd.s32 $0xFFFFC000  }
0x5d: {  	_ =	swait.ge [sflag:s19], $0x4000  }
0x5e: {  	s29 =	smov.u32 s5;
	s28 =	simm.s32 $0x4000;
	[sflag:s19] =	ssyncset.done $0x0  }
.LBB2_2:
0x5f: {  	[sflag:s19] =	ssyncadd.s32 $0xFFFFC000;
	s29 =	sadd.s32 $0x80, s29  }
0x60: {  	[tilespmem:s2], [sflag:$0xD] =	stream.linear.gather [hbm4b:s29+s2], $0x400, $0x38;
	[tilespmem:$0x18400] =	vst v63  }
0x61: {  	_ =	swait.ge [sflag:s6], $0x400  }
0x62: {  	[sflag:s6] =	ssyncset.done $0x0  }
0x63: {  	[sflag:s6] =	ssyncadd.s32 $0xFFFFFC00  }
0x64: {  	[tilespmem:s8], [sflag:$0x1] =	stream.indirect.gather [hbm4b:s3+s7], $0x80, s2, s7, $0xb8;
	[tilespmem:$0x18400] =	vst v63  }
0x65: {  	_ = 	snop  }
0x66: {  	[tilespmem:s9], [sflag:$0x2] =	stream.indirect.gather [hbm4b:s3+s7], $0x80, s7, s7, $0xb8;
	[tilespmem:$0x18400] =	vst v63  }
0x67: {  	s31 =	rddreg [dreg:$0x4]  }
0x68: {  	[tilespmem:s10], [sflag:$0x3] =	stream.indirect.gather [hbm4b:s3+s7], $0x80, s31, s7, $0xb8;
	[tilespmem:$0x18400] =	vst v63  }
0x69: {  	s0 =	rddreg [dreg:$0x5]  }
0x6a: {  	[tilespmem:s11], [sflag:$0x4] =	stream.indirect.gather [hbm4b:s3+s7], $0x80, s0, s7, $0xb8;
	[tilespmem:$0x18400] =	vst v63  }
0x6b: {  	_ =	swait.ge [sflag:s12], $0x4000  }
0x6c: {  	s0 =	rddreg [dreg:$0x6];
	[sflag:s12] =	ssyncset.done $0x0  }
0x6d: {  	s30 =	smov.u32 s28;
	s31 =	rddreg [dreg:$0x3];
	[sflag:s12] =	ssyncadd.s32 $0xFFFFC000  }
0x6e: {  	[tilespmem:s13], [sflag:$0x5] =	stream.indirect.gather [hbm4b:s3+s7], $0x80, s0, s7, $0xb8;
	[tilespmem:$0x18400] =	vst v63  }
0x6f: {  	s30 =	sadd.s32 s30, s31  }
0x70: {  	[hbm4b:s30+s2] =	stream.linear.scatter [tilespmem:s8], [sflag:$0x7], $0x4000, $0x38;
	[tilespmem:$0x18400] =	vst v63  }
0x71: {  	_ =	swait.ge [sflag:s14], $0x4000  }
0x72: {  	[sflag:s14] =	ssyncset.done $0x0  }
0x73: {  	s31 =	rddreg [dreg:$0x7];
	[sflag:s14] =	ssyncadd.s32 $0xFFFFC000  }
0x74: {  	[tilespmem:s15], [sflag:$0x6] =	stream.indirect.gather [hbm4b:s3+s7], $0x80, s31, s7, $0xb8;
	[tilespmem:$0x18400] =	vst v63  }
0x75: {  	s31 =	sadd.s32 $0x800, s30  }
0x76: {  	[hbm4b:s31+s2] =	stream.linear.scatter [tilespmem:s9], [sflag:$0x8], $0x4000, $0x38;
	[tilespmem:$0x18400] =	vst v63  }
0x77: {  	_ =	swait.ge [sflag:s16], $0x4000  }
0x78: {  	[sflag:s16] =	ssyncset.done $0x0  }
0x79: {  	[sflag:s16] =	ssyncadd.s32 $0xFFFFC000  }
0x7a: {  	_ =	swait.ge [sflag:s17], $0x4000  }
0x7b: {  	[sflag:s17] =	ssyncset.done $0x0  }
0x7c: {  	s31 =	rddreg [dreg:$0x8];
	[sflag:s17] =	ssyncadd.s32 $0xFFFFC000  }
0x7d: {  	[tilespmem:s8], [sflag:$0x1] =	stream.indirect.gather [hbm4b:s3+s7], $0x80, s31, s7, $0xb8;
	[tilespmem:$0x18400] =	vst v63  }
0x7e: {  	s31 =	sadd.s32 $0x1000, s30  }
0x7f: {  	[hbm4b:s31+s2] =	stream.linear.scatter [tilespmem:s10], [sflag:$0x9], $0x4000, $0x38;
	[tilespmem:$0x18400] =	vst v63  }
0x80: {  	_ =	swait.ge [sflag:s18], $0x4000  }
0x81: {  	[sflag:s18] =	ssyncset.done $0x0  }
0x82: {  	[sflag:s18] =	ssyncadd.s32 $0xFFFFC000  }
0x83: {  	_ =	swait.ge [sflag:s19], $0x4000  }
0x84: {  	[sflag:s19] =	ssyncset.done $0x0  }
0x85: {  	s31 =	rddreg [dreg:$0x9];
	[sflag:s19] =	ssyncadd.s32 $0xFFFFC000  }
0x86: {  	[tilespmem:s9], [sflag:$0x2] =	stream.indirect.gather [hbm4b:s3+s7], $0x80, s31, s7, $0xb8;
	[tilespmem:$0x18400] =	vst v63  }
0x87: {  	s31 =	sadd.s32 $0x1800, s30  }
0x88: {  	[hbm4b:s31+s2] =	stream.linear.scatter [tilespmem:s11], [sflag:$0xA], $0x4000, $0x38;
	[tilespmem:$0x18400] =	vst v63  }
0x89: {  	_ =	swait.ge [sflag:s20], $0x4000  }
0x8a: {  	[sflag:s20] =	ssyncset.done $0x0  }
0x8b: {  	s31 =	sadd.s32 $0x2000, s30;
	[sflag:s20] =	ssyncadd.s32 $0xFFFFC000  }
0x8c: {  	[hbm4b:s31+s2] =	stream.linear.scatter [tilespmem:s13], [sflag:$0xB], $0x4000, $0x38;
	[tilespmem:$0x18400] =	vst v63  }
0x8d: {  	_ =	swait.ge [sflag:s21], $0x4000  }
0x8e: {  	[sflag:s21] =	ssyncset.done $0x0  }
0x8f: {  	s31 =	sadd.s32 $0x2800, s30;
	[sflag:s21] =	ssyncadd.s32 $0xFFFFC000  }
0x90: {  	[hbm4b:s31+s2] =	stream.linear.scatter [tilespmem:s15], [sflag:$0xC], $0x4000, $0x38;
	[tilespmem:$0x18400] =	vst v63  }
0x91: {  	_ =	swait.ge [sflag:s12], $0x4000  }
0x92: {  	[sflag:s12] =	ssyncset.done $0x0  }
0x93: {  	s31 =	sadd.s32 $0x3000, s30;
	[sflag:s12] =	ssyncadd.s32 $0xFFFFC000  }
0x94: {  	[hbm4b:s31+s2] =	stream.linear.scatter [tilespmem:s8], [sflag:$0x7], $0x4000, $0x38;
	[tilespmem:$0x18400] =	vst v63  }
0x95: {  	_ =	swait.ge [sflag:s14], $0x4000  }
0x96: {  	[sflag:s14] =	ssyncset.done $0x0  }
0x97: {  	s31 =	sadd.s32 $0x3800, s30;
	[sflag:s14] =	ssyncadd.s32 $0xFFFFC000  }
0x98: {  	[hbm4b:s31+s2] =	stream.linear.scatter [tilespmem:s9], [sflag:$0x8], $0x4000, $0x38;
	[tilespmem:$0x18400] =	vst v63  }
0x99: {  	_ =	swait.ge [sflag:s22], $0x4000  }
0x9a: {  	[sflag:s22] =	ssyncset.done $0x0  }
0x9b: {  	[sflag:s22] =	ssyncadd.s32 $0xFFFFC000  }
0x9c: {  	_ =	swait.ge [sflag:s23], $0x4000  }
0x9d: {  	[sflag:s23] =	ssyncset.done $0x0  }
0x9e: {  	[sflag:s23] =	ssyncadd.s32 $0xFFFFC000  }
0x9f: {  	_ =	swait.ge [sflag:s24], $0x4000  }
0xa0: {  	[sflag:s24] =	ssyncset.done $0x0  }
0xa1: {  	[sflag:s24] =	ssyncadd.s32 $0xFFFFC000  }
0xa2: {  	_ =	swait.ge [sflag:s25], $0x4000  }
0xa3: {  	[sflag:s25] =	ssyncset.done $0x0  }
0xa4: {  	p0 =	sne.s32 s28, $0x24000;
	[sflag:s25] =	ssyncadd.s32 $0xFFFFC000  }
.Ltmp0:
0xa5: {  	_ =	swait.ge [sflag:s17], $0x4000;
	(pc) =	sbr.rel @p0 .LBB2_2-.Ltmp0, $4  }
0xa6: {  	[sflag:s17] =	ssyncset.done $0x0  }
0xa7: {  	[sflag:s17] =	ssyncadd.s32 $0xFFFFC000  }
0xa8: {  	_ =	swait.ge [sflag:s19], $0x4000  }
0xa9: {  	s28 =	sadd.s32 $0x4000, s28;
	[sflag:s19] =	ssyncset.done $0x0  }
0xaa: {  	s26 =	sadd.s32 $0x1, s26  }
0xab: {  	p0 =	sne.s32 s26, s4  }
.Ltmp1:
0xac: {  	_ = 	snop;
	(pc) =	sbr.rel @p0 .LBB2_1-.Ltmp1, $2  }
0xad: {  	_ =	sdelay $0x2  }
0xae: {  	[sflag:s19] =	ssyncadd.s32 $0xFFFFC000  }
0xaf: {  	_ =	sfence.sel $0x180000  }
0xb0: {  	[bflag:$0x0] =	sbarrier.arrive $0xFFFF  }
0xb1: {  	_ =	strace $0x90000047  }
0xb2: {  	[bflag:$0x2] =	sbarrier.arrive $0xFFFF  }
0xb3: {  	p0 =	sne.s32 s1, $0x0;
	s0 =	rddreg [dreg:$0x2]  }
0xb4: {  	s0 =	sadd.s32 @!p0 $0x100000, s0  }
0xb5: {  	[sflag:s0] =	ssyncadd.tile.s32 @!p0 $0x1;
	_ =	shalt  }
.Lfunc_end2:
_tile_overlayer_lowered:
.L_overlay_start_2:
0xb6: {  	(tag) =	ssettag $0x2  }
0xb7: {  	s0 =	rddreg [dreg:$0x0];
	s2 =	stileid.u32  }
0xb8: {  	s1 =	rddreg [dreg:$0x1];
	p0 =	sne.s32 s2, $0x0  }
0xb9: {  	s3 =	rddreg [dreg:$0x2];
	[bflag:$0x3] =	sbarrier.arrive $0xFFFF;
	s2 =	simm.s32 @!p0 $0x1C0D  }
0xba: {  	[timem:s3], [sflag:s2] =	dma.local @!p0 [hbm:s0], s1  }
0xbb: {  	s0 =	simm.s32 @!p0 $0xD  }
0xbc: {  	_ =	swait.ge @!p0 [sflag:s0], s1  }
0xbd: {  	s1 =	ssub.s32 @!p0 $0x0, s1;
	[sflag:s0] =	ssyncset.done @!p0 $0x0  }
0xbe: {  	[sflag:s0] =	ssyncadd.s32 @!p0 s1  }
0xbf: {  	[bflag:$0x3] =	sbarrier.arrive $0xFFFF  }
0xc0: {  	_ =	shalt  }

// kernel: sparse-core-data-format-call.cloned.1.call-start
scs
called_computation_lowered:
.L_overlay_start_0:
0x0: {  	s2 =	sld [smem:$0x3FD9]  }
0x1: {  	s3 =	sld [smem:$0x3FFE];
	_ =	sdelay $0x1  }
0x2: {  	s1 =	srdreg.scid  }
0x3: {  	s0 =	sand.u32 $0x1, s1  }
0x4: {  	s18 =	sshll.u32 s0, $0xA;
	s2 =	sadd.s32 s3, s2  }
0x5: {  	s2 =	sadd.s32 s2, s18  }
0x6: {  	[smem:$0x3FC6] =	sst s2  }
0x7: {  	_ = 	snop  }
0x8: {  	s2 =	sld [smem:$0x3FD0];
	(tm) =	ssettm $0x1  }
0x9: {  	s19 =	sld [smem:$0x3FFB];
	_ =	sdelay $0x3  }
0xa: {  	_ =	strace s19  }
0xb: {  	s3 =	sld [smem:$0x3FFC];
	_ =	sdelay $0x3  }
0xc: {  	_ =	strace s3  }
0xd: {  	s3 =	sld [smem:$0x3FFD];
	_ =	sdelay $0x3  }
0xe: {  	_ =	strace s3  }
0xf: {  	_ =	strace $0x8FFFFFFF  }
0x10: {  	s20 =	sld [smem:$0x3FDB];
	_ =	sdelay $0x1  }
0x11: {  	s4 =	simm.s32 $_scs_section_size  }
0x12: {  	s5 =	simm.s32 $_size__tile_overlayer_lowered;
	s6 =	simm.s32 $_tile_overlayer_lowered  }
0x13: {  	s23 =	simm.s32 $0x1BFF;
	s22 =	sshll.u32 s6, $0x1;
	s3 =	sadd.s32 s4, s20  }
0x14: {  	s7 =	simm.s32 $0x0;
	s21 =	sshll.u32 s5, $0x1;
	s5 =	sadd.s32 s22, s3  }
0x15: {  	[timem:s7], [sflag:s23] =	dma.local [hbm:s5], s21  }
0x16: {  	_ =	swait.ge [sflag:s23], s21  }
0x17: {  	s4 =	ssub.s32 $0x0, s21;
	[sflag:s23] =	ssyncset.done $0x0  }
0x18: {  	[sflag:s23] =	ssyncadd.s32 s4;
	_ =	sdelay $0x1  }
0x19: {  	s24 =	simm.s32 $0x1B8B  }
0x1a: {  	_ =	swait.ge [sflag:s24], $0x1  }
0x1b: {  	[sflag:s24] =	ssyncset.done $0x0  }
0x1c: {  	s26 =	simm.s32 $0x1B8E;
	s25 =	sld [smem:$0x3FFE];
	[sflag:s24] =	ssyncadd.s32 $0xFFFFFFFF  }
0x1d: {  	s27 =	simm.s32 $execute0_lowered;
	[smem:$0x3FD2] =	sst s26  }
0x1e: {  	s5 =	sshll.u32 s27, $0x1;
	_ =	strace $0x80000049;
	[dreg:$0x1] =	wrdreg $0xFFFFFFFF  }
0x1f: {  	s28 =	simm.s32 $_size_execute0_lowered;
	s3 =	sadd.s32 s3, s5;
	[dreg:$0x0] =	wrdreg $0x0  }
0x20: {  	s5 =	sshll.u32 s28, $0x1;
	[dreg:$0x2] =	wrdreg s3  }
0x21: {  	[dreg:$0x3] =	wrdreg s5  }
0x22: {  	[dreg:$0x4] =	wrdreg $0xC0  }
0x23: {  	_ =	task [dreg:s7], $0x5FFFF  }
0x24: {  	[dreg:$0x1] =	wrdreg $0xFFFFFFFF  }
0x25: {  	[dreg:$0x0] =	wrdreg $0x60  }
0x26: {  	[dreg:$0x2] =	wrdreg s25  }
0x27: {  	[dreg:$0x3] =	wrdreg s2  }
0x28: {  	[dreg:$0x4] =	wrdreg $0x9  }
0x29: {  	_ =	task.clear_ibuf [dreg:s7], $0x5FFFF;
	_ =	strace $0x90000049  }
0x2a: {  	s29 =	simm.s32 $0x9;
	_ =	strace $0x8000004B  }
0x2b: {  	_ =	swait.ge [sflag:s29], $0x1  }
0x2c: {  	[sflag:s29] =	ssyncadd.s32 $0xFFFFFFFF  }
0x2d: {  	_ =	strace $0x9000004B  }
0x2e: {  	_ =	sfence  }
0x2f: {  	s30 =	sld [smem:$0x0];
	_ =	sdelay $0x2  }
0x30: {  	s31 =	sshll.u32 s1, $0xD;
	s1 =	sshrl.u32 s1, $0x2  }
0x31: {  	s3 =	sand.u32 $0x4000, s31;
	s1 =	sadd.s32 s1, s30  }
0x32: {  	s0 =	sor.u32 s3, s0;
	s1 =	sshll.u32 s1, $0x11  }
0x33: {  	s0 =	sor.u32 s1, s0  }
0x34: {  	s0 =	sadd.s32 $0x8F2B, s0  }
0x35: {  	[sflag:s0] =	ssyncadd.remote.s32 $0x1  }
0x36: {  	_ =	sfence.sel $0xFFFF  }
0x37: {  	[dreg:$0x0] =	wrdreg $0xFFFFFFFF;
	(pc) =	sbr.abs _section_cstart, $3  }
0x38: {  	[dreg:$0x1] =	wrdreg $0xFFFFFFFF  }
0x39: {  	_ =	task.clear_ibuf [dreg:s7], $0x2FFFF;
	_ =	strace $0x9FFFFFFF  }
0x3a: {  	(tm) =	ssettm $0x7FFFFFFF  }
0x3b: {  	_ =	shalt  }
tec
execute0_lowered:
.L_overlay_start_1:
0x0: {  	(tag) =	ssettag $0x1  }
0x1: {  	s0 =	srdreg.scid  }
0x2: {  	s1 =	sshll.u32 s0, $0x4  }
0x3: {  	s0 =	stileid.u32;
	s1 =	sand.u32 $0x10, s1  }
0x4: {  	s1 =	sor.u32 s0, s1  }
0x5: {  	s6 =	rddreg [dreg:$0x0];
	s4 =	simm.s32 $0x1;
	s2 =	sshll.u32 s1, $0x7  }
0x6: {  	s7 =	simm.s32 $0x2;
	s12 =	simm.s32 $0x0;
	s1 =	ssub.s32 $0x4000, s2  }
0x7: {  	s8 =	simm.s32 $0x20000;
	s13 =	simm.s32 $0x0;
	s3 =	sand.u32 $0xF80, s1  }
0x8: {  	s9 =	simm.s32 $0x0;
	s5 =	sshrl.u32 s1, $0xC;
	p0 =	sne.s32 s3, $0x0  }
.Ltmp0:
0x9: {  	s1 =	rddreg [dreg:$0x2];
	s4 =	simm.s32 @!p0 $0x0;
	(pc) =	sbr.rel .LBB1_1-.Ltmp0, $4  }
0xa: {  	s11 =	simm.s32 $0x0;
	s3 =	rddreg [dreg:$0x1];
	s5 =	sadd.s32 s4, s5  }
0xb: {  	_ =	strace $0x8000004A;
	s4 =	simm.s32 $0x1;
	s5 =	smul.u32 $0x14, s5  }
0xc: {  	s6 =	sadd.s32 $0x500A00, s6;
	s10 =	smov.u32 s2;
	[sflag:s4] =	ssyncpa.u1 $0x0  }
0xd: {  	p0 =	por $0x0, $0x0;
	[sflag:s7] =	ssyncpa.u1 $0x0;
	s7 =	sor.u32 $0x1, s5  }
.LBB1_4:
0xe: {  	s16 =	sshll.u32 s13, $0x3;
	s17 =	sand.u32 $0x78, s13  }
0xf: {  	s30 =	sand.u32 $0x1F800, s13;
	s12 =	sshll.u32 s12, $0x11;
	s16 =	sand.u32 $0x3C00, s16  }
0x10: {  	[tilespmem:s15+$0x810 ss:$0x81] =	vst.msk $0xffff, v2;
	s31 =	sand.u32 $0x7, s13;
	s16 =	sor.u32 s17, s16;
	s17 =	sadd.s32 s3, s30  }
0x11: {  	[tilespmem:s15+$0x1020 ss:$0x81] =	vst.msk $0xffff, v0;
	s13 =	sshll.u32 s31, $0x12;
	s12 =	sadd.s32 s12, s17;
	s16 =	sshrl.u32 s16, $0x3  }
0x12: {  	[tilespmem:s15+$0x0 ss:$0x81] =	vst.msk $0xffff, v1;
	s13 =	sor.u32 $0x400, s13;
	s12 =	sadd.s32 s16, s12  }
0x13: {  	[hbm4b:s12+s13] =	stream.strided.scatter [tilespmem:s14], [sflag:$0x2], $0x2000, s8, s13, $0x20;
	[tilespmem:$0x8080] =	vst v63  }
.LBB1_5:
0x14: {  	s14 =	sadd.s32 $0x1, s9  }
0x15: {  	s12 =	sadd.s32 $0x1000, s10;
	s16 =	smov.u32 s10;
	p2 =	sgt.s32 s14, $0x13  }
0x16: {  	s16 =	smov.u32 @p2 s12  }
0x17: {  	s14 =	simm.s32 @p2 $0x0;
	p2 =	sgt.s32 s16, $0x3FFF  }
0x18: {  	s16 =	smov.u32 @p2 s2;
	p2 =	sne.s32 s11, s7  }
.Ltmp1:
0x19: {  	p1 =	slt.u32 s11, $0x2;
	(pc) =	sbr.rel @!p2 .LBB1_6-.Ltmp1, $4  }
0x1a: {  	s15 =	simm.s32 @!p1 $0x2  }
0x1b: {  	s13 =	smov.u32 s10;
	p0 =	por !p0, !p0;
	_ =	swait.ge @!p1 [sflag:s15], $0x2000  }
0x1c: {  	s12 =	smov.u32 s9;
	[sflag:s15] =	ssyncset.done @!p1 $0x0;
	s9 =	smov.u32 s14  }
0x1d: {  	s11 =	sadd.s32 $0x1, s11;
	[sflag:s15] =	ssyncadd.s32 @!p1 $0xFFFFE000;
	s10 =	smov.u32 s16  }
.LBB1_1:
0x1e: {  	p1 =	sge.u32 s11, s5  }
0x1f: {  	s14 =	sand.u32 @!p1 $0x1FFFFFF, s9  }
0x20: {  	s15 =	smulhi.u32 @!p1 $0xAAAAAAB, s14;
	_ =	sdelay $0x1  }
0x21: {  	s15 =	smul.u32 @!p1 $0x18, s15  }
0x22: {  	s16 =	sxor.u32 @!p1 $0xFFFFFFFF, s11;
	s17 =	smul.u32 @!p1 $0x180, s10  }
0x23: {  	s31 =	sadd.s32 $0xFFFFFFFF, s11;
	s16 =	sshll.u32 @!p1 s16, $0xD;
	s14 =	ssub.s32 @!p1 s14, s15  }
0x24: {  	s15 =	sand.u32 @!p1 $0x2000, s16;
	s16 =	sadd.s32 @!p1 s6, s17;
	s14 =	sshll.u32 @!p1 s14, $0x4  }
0x25: {  	s17 =	simm.s32 @!p1 $0xC00;
	s14 =	sadd.s32 @!p1 s14, s16;
	s16 =	simm.s32 @!p1 $0x40  }
0x26: {  	[tilespmem:s15], [sflag:$0x1] =	stream.strided.gather @!p1 [hbm4b:s14+s16], $0x2000, s17, s16, $0x38;
	[tilespmem:$0x8080] =	vst v63  }
0x27: {  	p1 =	sge.u32 s31, s5  }
.Ltmp2:
0x28: {  	_ = 	snop;
	(pc) =	sbr.rel @p1 .LBB1_5-.Ltmp2, $1  }
0x29: {  	_ =	sdelay $0x3  }
0x2a: {  	s14 =	simm.s32 $0x1  }
0x2b: {  	_ =	swait.ge [sflag:s4], $0x2000;
	s14 =	simm.s32 @!p0 $0x0  }
0x2c: {  	[sflag:s4] =	ssyncset.done $0x0;
	s15 =	sshll.u32 s14, $0xD  }
0x2d: {  	[sflag:s4] =	ssyncadd.s32 $0xFFFFE000;
	s18 =	sor.u32 $0x20, s15  }
0x2e: {  	s14 =	smul.u32 $0x8100, s14;
	v3 =	vld [tilespmem:s18+$0x10]  }
0x2f: {  	s30 =	sand.u32 $0x1, s11;
	v2 =	vld [tilespmem:s18+$0xFFFFFFF0]  }
0x30: {  	s15 =	smul.u32 $0x8100, s30;
	s14 =	sshrl.u32 s14, $0x2;
	v0 =	vld [tilespmem:s18+$0x0]  }
0x31: {  	v1 =	vld [tilespmem:s18+$0xFFFFFFE0];
	s16 =	sor.u32 $0x4000, s14  }
0x32: {  	s31 =	sshrl.u32 s15, $0x2;
	s15 =	sadd.s32 $0x0, s16  }
0x33: {  	s17 =	simm.s32 $0x4;
	s18 =	sadd.s32 $0x40, s18;
	s14 =	sor.u32 $0x4000, s31;
	[tilespmem:s15+$0x1830 ss:$0x81] =	vst.msk $0xffff, v3  }
.LBB1_3:
0x34: {  	v3 =	vld [tilespmem:s18+$0x10];
	p1 =	sne.s32 s17, $0x1FC;
	[tilespmem:s15+$0x810 ss:$0x81] =	vst.msk $0xffff, v2;
	s19 =	smov.u32 s17;
	s17 =	sadd.s32 $0x4, s17  }
.Ltmp3:
0x35: {  	v2 =	vld [tilespmem:s18+$0xFFFFFFF0];
	[tilespmem:s15+$0x1020 ss:$0x81] =	vst.msk $0xffff, v0;
	(pc) =	sbr.rel @p1 .LBB1_3-.Ltmp3, $4  }
0x36: {  	v0 =	vld [tilespmem:s18+$0x0];
	[tilespmem:s15+$0x0 ss:$0x81] =	vst.msk $0xffff, v1  }
0x37: {  	s15 =	sshra.s32 s19, $0x2;
	v1 =	vld [tilespmem:s18+$0xFFFFFFE0]  }
0x38: {  	s15 =	sadd.s32 s15, s16  }
0x39: {  	s18 =	sadd.s32 $0x40, s18;
	[tilespmem:s15+$0x1830 ss:$0x81] =	vst.msk $0xffff, v3  }
.Ltmp4:
0x3a: {  	_ = 	snop;
	(pc) =	sbr.rel .LBB1_4-.Ltmp4, $1  }
0x3b: {  	_ =	sdelay $0x3  }
.LBB1_6:
0x3c: {  	_ =	sfence.sel $0x180000  }
0x3d: {  	s2 =	simm.s32 $0x1;
	[bflag:$0x0] =	sbarrier.arrive $0xFFFF  }
0x3e: {  	s31 =	simm.s32 $0x2;
	[sflag:s2] =	ssyncpa.u1 $0x1  }
0x3f: {  	[sflag:s31] =	ssyncpa.u1 $0x1  }
0x40: {  	p0 =	sne.s32 s0, $0x0;
	_ =	strace $0x9000004A  }
0x41: {  	s0 =	sadd.s32 @!p0 $0x100000, s1;
	[bflag:$0x2] =	sbarrier.arrive $0xFFFF  }
0x42: {  	[sflag:s0] =	ssyncadd.tile.s32 @!p0 $0x1;
	_ =	shalt  }
.Lfunc_end1:
_tile_overlayer_lowered:
.L_overlay_start_2:
0x43: {  	(tag) =	ssettag $0x2  }
0x44: {  	s0 =	rddreg [dreg:$0x0];
	s2 =	stileid.u32  }
0x45: {  	s1 =	rddreg [dreg:$0x1];
	p0 =	sne.s32 s2, $0x0  }
0x46: {  	s3 =	rddreg [dreg:$0x2];
	[bflag:$0x3] =	sbarrier.arrive $0xFFFF;
	s2 =	simm.s32 @!p0 $0x1C01  }
0x47: {  	[timem:s3], [sflag:s2] =	dma.local @!p0 [hbm:s0], s1  }
0x48: {  	s0 =	simm.s32 @!p0 $0x1  }
0x49: {  	_ =	swait.ge @!p0 [sflag:s0], s1  }
0x4a: {  	s1 =	ssub.s32 @!p0 $0x0, s1;
	[sflag:s0] =	ssyncset.done @!p0 $0x0  }
0x4b: {  	[sflag:s0] =	ssyncadd.s32 @!p0 s1  }
0x4c: {  	[bflag:$0x3] =	sbarrier.arrive $0xFFFF  }
0x4d: {  	_ =	shalt  }

</sc_bundles>
